<compile_context>
chip_gen: v7x
topology: tpu7x:2x2x1
jax: 0.10.2.dev20260603
libtpu: 0.0.44.dev20260713+nightly
codegen_flags: <defaults>
</compile_context>

<pallas_src>
import functools

import jax
import jax.numpy as jnp
from jax import lax
from jax.experimental import pallas as pl
from jax.experimental.pallas import tpu as pltpu
from jax.experimental.pallas import tpu_sc as plsc

N_NODES = 10000
N_EDGES = 160000
NC, NS = 2, 16
R_BLK = 2000
N_BLKS = N_NODES // R_BLK
EPS = 1e-5



AGG_C = 256
NW = NC * NS
TPT = 320
N_PAD = NW * TPT
SE = 2000
NCH = N_EDGES // SE
GE = 64
FL = 2048
EMAX = N_EDGES + FL
PACK_BITS = 14

_SC_MESH = dict(core_axis_name="c", subcore_axis_name="s")
_SC_CP = pltpu.CompilerParams(needs_layout_passes=False)


@jax.jit
def _sc_bucket(src, dst):

    @functools.partial(
        pl.kernel,
        out_type=(jax.ShapeDtypeStruct((NW * EMAX,), jnp.int32),
                  jax.ShapeDtypeStruct((NW * 16,), jnp.int32),
                  jax.ShapeDtypeStruct((N_PAD,), jnp.float32)),
        mesh=plsc.VectorSubcoreMesh(**_SC_MESH),
        compiler_params=_SC_CP,
        scratch_types=[
            pltpu.VMEM((SE,), jnp.int32),
            pltpu.VMEM((SE,), jnp.int32),
            pltpu.VMEM((FL + SE + 80,), jnp.int32),
            pltpu.VMEM((16,), jnp.int32),
            pltpu.VMEM((TPT + 16,), jnp.float32),
        ],
    )
    def bucket_kernel(src_hbm, dst_hbm, list_hbm, cnt_hbm, deg_hbm,
                      src_ch, dst_ch, sbuf, cstage, cnt):
        cid = lax.axis_index("c")
        sid = lax.axis_index("s")
        w = sid * NC + cid
        mybase = pl.multiple_of(w * TPT, 8)
        lbase = pl.multiple_of(w * EMAX, 8)
        lane = lax.iota(jnp.int32, 16)
        lane_masks = [lane == k for k in range(16)]
        ones = jnp.ones((16,), jnp.float32)
        dump_pack = jnp.full((16,), TPT << PACK_BITS, jnp.int32)

        @pl.loop(0, (TPT + 16) // 16)
        def _(i):
            cnt[pl.ds(i * 16, 16)] = jnp.zeros((16,), jnp.float32)

        def deg_region(lo, hi):
            def dbody(i, _):
                ld = sbuf[pl.ds(lo + i * 16, 16)] >> PACK_BITS
                for k in range(16):
                    plsc.addupdate_scatter(cnt, [ld], ones,
                                           mask=(lane_masks[k]) & (ld < TPT))
                return 0

            lax.fori_loop(0, (hi - lo) // 16, dbody, 0)

        def chunk_body(ch, carry):
            ptr, gout = carry
            e0 = ch * SE
            pltpu.sync_copy(src_hbm.at[pl.ds(e0, SE)], src_ch)
            pltpu.sync_copy(dst_hbm.at[pl.ds(e0, SE)], dst_ch)

            def scan_body(i, ptr):
                vd = dst_ch[pl.ds(i * 16, 16)]
                vs = src_ch[pl.ds(i * 16, 16)]
                ld = vd - mybase
                m = (ld >= 0) & (ld < TPT)
                packed = vs | (ld << PACK_BITS)
                plsc.store_compressed(sbuf.at[pl.ds(ptr, 16)], packed, mask=m)
                return ptr + jnp.max(plsc.all_reduce_population_count(m))

            ptr = lax.fori_loop(0, SE // 16, scan_body, ptr)

            @pl.when(ptr >= FL)
            def _():
                deg_region(0, FL)
                pltpu.sync_copy(sbuf.at[pl.ds(0, FL)],
                                list_hbm.at[pl.ds(pl.multiple_of(lbase + gout, 8), FL)])
                tail = ptr - FL

                def mv(i, _):
                    sbuf[pl.ds(i * 16, 16)] = sbuf[pl.ds(FL + i * 16, 16)]
                    return 0

                lax.fori_loop(0, (tail + 15) // 16, mv, 0)

            flushed = jnp.where(ptr >= FL, FL, 0)
            return ptr - flushed, gout + flushed

        ptr, gout = lax.fori_loop(0, NCH, chunk_body,
                                  (jnp.int32(0), jnp.int32(0)))
        padded = ((ptr + 2 * GE - 1) // (2 * GE)) * (2 * GE)

        def padfill(i, _):
            sbuf[pl.ds(ptr + i * 16, 16)] = dump_pack
            return 0

        lax.fori_loop(0, (padded - ptr + 15) // 16, padfill, 0)

        @pl.when(padded > 0)
        def _():
            deg_region(0, padded)
            pltpu.sync_copy(sbuf.at[pl.ds(0, FL)],
                            list_hbm.at[pl.ds(pl.multiple_of(lbase + gout, 8), FL)])

        cstage[pl.ds(0, 16)] = jnp.broadcast_to(gout + padded, (16,))
        pltpu.sync_copy(cstage, cnt_hbm.at[pl.ds(pl.multiple_of(w * 16, 8), 16)])
        pltpu.sync_copy(cnt.at[pl.ds(0, TPT)], deg_hbm.at[pl.ds(mybase, TPT)])

    return bucket_kernel(src, dst)


@jax.jit
def _sc_aggregate(h, elist, counts, zeros_init):
    c = AGG_C
    CH = 2048
    CHG = CH // GE

    @functools.partial(
        pl.kernel,
        out_type=jax.ShapeDtypeStruct((N_PAD, c), jnp.float32),
        mesh=plsc.VectorSubcoreMesh(**_SC_MESH),
        compiler_params=_SC_CP,
        scratch_types=[
            pltpu.VMEM((16,), jnp.int32),
            pltpu.VMEM((CH,), jnp.int32),
            pltpu.VMEM((GE,), jnp.int32),
            pltpu.VMEM((GE,), jnp.int32),
            pltpu.VMEM((GE, c), jnp.float32),
            pltpu.VMEM((GE, c), jnp.float32),
            pltpu.VMEM((TPT + 8, c), jnp.float32),
            pltpu.SemaphoreType.DMA,
            pltpu.SemaphoreType.DMA,
        ],
    )
    def agg_kernel(h_hbm, list_hbm, cnt_hbm, z_hbm, out_hbm,
                   cbuf, lbuf, gi_a, gi_b, rb_a, rb_b, acc, sem_a, sem_b):
        cid = lax.axis_index("c")
        sid = lax.axis_index("s")
        w = sid * NC + cid
        mybase = pl.multiple_of(w * TPT, 8)
        lbase = pl.multiple_of(w * EMAX, 8)
        lane = lax.iota(jnp.int32, 16)
        pltpu.sync_copy(z_hbm, acc)
        pltpu.sync_copy(cnt_hbm.at[pl.ds(pl.multiple_of(w * 16, 8), 16)], cbuf)
        ng = jnp.max(cbuf[pl.ds(0, 16)]) // GE

        def issue(gl, gi, rb, sem):
            for k in range(GE // 16):
                gi[pl.ds(k * 16, 16)] = (lbuf[pl.ds(gl * GE + k * 16, 16)]
                                         & ((1 << PACK_BITS) - 1))
            pltpu.async_copy(h_hbm.at[gi], rb, sem)

        def wait(rb, sem):
            pltpu.make_async_copy(h_hbm.at[pl.ds(0, GE)], rb, sem).wait()

        def process(gl, rb):
            @pl.loop(0, GE // 16)
            def _(q):
                vlad = lbuf[pl.ds(gl * GE + q * 16, 16)] >> PACK_BITS
                for r2 in range(16):
                    rowv = vlad.at[jnp.full((16,), r2, jnp.int32)].get(
                        mode="promise_in_bounds")
                    for j in range(c // 16):
                        plsc.addupdate_scatter(
                            acc, [rowv, j * 16 + lane],
                            rb[q * 16 + r2, pl.ds(j * 16, 16)])

        def chunk(lc, _):
            ngc = jnp.minimum(CHG, ng - lc * CHG)
            pltpu.sync_copy(
                list_hbm.at[pl.ds(pl.multiple_of(lbase + lc * CH, 8), CH)],
                lbuf)
            issue(0, gi_a, rb_a, sem_a)

            def pair(i, _):
                g0 = 2 * i
                issue(g0 + 1, gi_b, rb_b, sem_b)
                wait(rb_a, sem_a)
                process(g0, rb_a)

                @pl.when(g0 + 2 < ngc)
                def _():
                    issue(g0 + 2, gi_a, rb_a, sem_a)

                wait(rb_b, sem_b)
                process(g0 + 1, rb_b)
                return 0

            lax.fori_loop(0, ngc // 2, pair, 0)
            return 0

        @pl.when(ng > 0)
        def _():
            lax.fori_loop(0, (ng + CHG - 1) // CHG, chunk, 0)

        pltpu.sync_copy(acc.at[pl.ds(0, TPT)], out_hbm.at[pl.ds(mybase, TPT)])

    return agg_kernel(h, elist, counts, zeros_init)


def _bucket(ei):
    return _sc_bucket(ei[0], ei[1])


def _aggregate(h, elist, counts):
    assert h.shape == (N_NODES, AGG_C)
    zeros_init = jnp.zeros((TPT + 8, AGG_C), jnp.float32)
    out = _sc_aggregate(h, elist, counts, zeros_init)
    return out[:N_NODES]



def _bn_coeffs(s_ref, q_ref, g_ref, b_ref):
    mu = s_ref[0:1, :] * (1.0 / N_NODES)
    var = q_ref[0:1, :] * (1.0 / N_NODES) - mu * mu
    scale = lax.rsqrt(var + EPS) * g_ref[...]
    shift = b_ref[...] - mu * scale
    return scale, shift


def _accum_stats(i, r, s_ref, q_ref):
    @pl.when(i == 0)
    def _():
        s_ref[...] = jnp.zeros_like(s_ref)
        q_ref[...] = jnp.zeros_like(q_ref)

    s_ref[...] += jnp.broadcast_to(jnp.sum(r, 0, keepdims=True), s_ref.shape)
    q_ref[...] += jnp.broadcast_to(jnp.sum(r * r, 0, keepdims=True), q_ref.shape)


def _dot(a, b):
    return jnp.dot(a, b, preferred_element_type=jnp.float32,
                   precision=lax.Precision.HIGHEST)


def _row_spec(c):
    return pl.BlockSpec((R_BLK, c), lambda i: (i, 0))


def _full_spec(shape):
    return pl.BlockSpec(shape, lambda i: tuple(0 for _ in shape))


def _stats_spec(c):
    return pl.BlockSpec((8, c), lambda i: (0, 0))


def _tc_colstats(x):
    c = x.shape[1]

    def body(x_ref, s_ref, q_ref):
        _accum_stats(pl.program_id(0), x_ref[...], s_ref, q_ref)

    return pl.pallas_call(
        body,
        grid=(N_BLKS,),
        in_specs=[_row_spec(c)],
        out_specs=[_stats_spec(c), _stats_spec(c)],
        out_shape=[jax.ShapeDtypeStruct((8, c), jnp.float32)] * 2,
    )(x)


def _tc_make_y(x, s0, q0, g0, b0, deg):
    c = x.shape[1]

    def body(x_ref, s_ref, q_ref, g_ref, b_ref, d_ref, y_ref):
        scale, shift = _bn_coeffs(s_ref, q_ref, g_ref, b_ref)
        dinv = lax.rsqrt(d_ref[:, 0:1] + 1.0)
        y_ref[...] = dinv * (x_ref[...] * scale + shift)

    return pl.pallas_call(
        body,
        grid=(N_BLKS,),
        in_specs=[_row_spec(c), _stats_spec(c), _stats_spec(c),
                  _full_spec((1, c)), _full_spec((1, c)),
                  pl.BlockSpec((R_BLK, 1), lambda i: (i, 0))],
        out_specs=[_row_spec(c)],
        out_shape=[jax.ShapeDtypeStruct((N_NODES, c), jnp.float32)],
    )(x, s0, q0, g0, b0, deg)[0]


def _tc_layer1(agg1, y, deg, w1, b1):
    cin, cout = w1.shape

    def body(a_ref, y_ref, d_ref, w_ref, b_ref, r_ref, s_ref, q_ref):
        dinv = lax.rsqrt(d_ref[:, 0:1] + 1.0)
        u = dinv * (a_ref[...] + y_ref[...])
        r = jnp.maximum(_dot(u, w_ref[...]) + b_ref[...], 0.0)
        r_ref[...] = r
        _accum_stats(pl.program_id(0), r, s_ref, q_ref)

    return pl.pallas_call(
        body,
        grid=(N_BLKS,),
        in_specs=[_row_spec(cin), _row_spec(cin),
                  pl.BlockSpec((R_BLK, 1), lambda i: (i, 0)),
                  _full_spec((cin, cout)), _full_spec((1, cout))],
        out_specs=[_row_spec(cout), _stats_spec(cout), _stats_spec(cout)],
        out_shape=[jax.ShapeDtypeStruct((N_NODES, cout), jnp.float32),
                   jax.ShapeDtypeStruct((8, cout), jnp.float32),
                   jax.ShapeDtypeStruct((8, cout), jnp.float32)],
    )(agg1, y, deg, w1, b1)


def _tc_bn_apply(r, s, q, g, b):
    c = r.shape[1]

    def body(r_ref, s_ref, q_ref, g_ref, b_ref, o_ref):
        scale, shift = _bn_coeffs(s_ref, q_ref, g_ref, b_ref)
        o_ref[...] = r_ref[...] * scale + shift

    return pl.pallas_call(
        body,
        grid=(N_BLKS,),
        in_specs=[_row_spec(c), _stats_spec(c), _stats_spec(c),
                  _full_spec((1, c)), _full_spec((1, c))],
        out_specs=[_row_spec(c)],
        out_shape=[jax.ShapeDtypeStruct((N_NODES, c), jnp.float32)],
    )(r, s, q, g, b)[0]


def _tc_graphconv(agg, h, w_rel, w_root, b):
    cin, cout = w_rel.shape

    def body(a_ref, h_ref, wr_ref, wo_ref, b_ref, r_ref, s_ref, q_ref):
        t = _dot(a_ref[...], wr_ref[...]) + _dot(h_ref[...], wo_ref[...])
        r = jnp.maximum(t + b_ref[...], 0.0)
        r_ref[...] = r
        _accum_stats(pl.program_id(0), r, s_ref, q_ref)

    return pl.pallas_call(
        body,
        grid=(N_BLKS,),
        in_specs=[_row_spec(cin), _row_spec(cin),
                  _full_spec((cin, cout)), _full_spec((cin, cout)),
                  _full_spec((1, cout))],
        out_specs=[_row_spec(cout), _stats_spec(cout), _stats_spec(cout)],
        out_shape=[jax.ShapeDtypeStruct((N_NODES, cout), jnp.float32),
                   jax.ShapeDtypeStruct((8, cout), jnp.float32),
                   jax.ShapeDtypeStruct((8, cout), jnp.float32)],
    )(agg, h, w_rel, w_root, b)


def _tc_bn_matmul(r, s, q, g, b, w):
    c = r.shape[1]
    cout = w.shape[1]

    def body(r_ref, s_ref, q_ref, g_ref, b_ref, w_ref, h_ref, p_ref):
        scale, shift = _bn_coeffs(s_ref, q_ref, g_ref, b_ref)
        h = r_ref[...] * scale + shift
        h_ref[...] = h
        p_ref[...] = _dot(h, w_ref[...])

    return pl.pallas_call(
        body,
        grid=(N_BLKS,),
        in_specs=[_row_spec(c), _stats_spec(c), _stats_spec(c),
                  _full_spec((1, c)), _full_spec((1, c)),
                  _full_spec((c, cout))],
        out_specs=[_row_spec(c), _row_spec(cout)],
        out_shape=[jax.ShapeDtypeStruct((N_NODES, c), jnp.float32),
                   jax.ShapeDtypeStruct((N_NODES, cout), jnp.float32)],
    )(r, s, q, g, b, w)


def _tc_layer3_tail(agg3, h2, w_root, b3):
    cin, cout = w_root.shape

    def body(a_ref, h_ref, w_ref, b_ref, r_ref, s_ref, q_ref):
        t = a_ref[...] + _dot(h_ref[...], w_ref[...])
        r = jnp.maximum(t + b_ref[...], 0.0)
        r_ref[...] = r
        _accum_stats(pl.program_id(0), r, s_ref, q_ref)

    return pl.pallas_call(
        body,
        grid=(N_BLKS,),
        in_specs=[_row_spec(cout), _row_spec(cin),
                  _full_spec((cin, cout)), _full_spec((1, cout))],
        out_specs=[_row_spec(cout), _stats_spec(cout), _stats_spec(cout)],
        out_shape=[jax.ShapeDtypeStruct((N_NODES, cout), jnp.float32),
                   jax.ShapeDtypeStruct((8, cout), jnp.float32),
                   jax.ShapeDtypeStruct((8, cout), jnp.float32)],
    )(agg3, h2, w_root, b3)



def kernel(x, edge_index, gamma0, beta0, W1, b1, gamma1, beta1,
           W2_rel, b2, W2_root, gamma2, beta2,
           W3_rel, b3, W3_root, gamma3, beta3):
    ei = edge_index.astype(jnp.int32)
    g0, b0 = gamma0.reshape(1, -1), beta0.reshape(1, -1)
    g1, b1r = gamma1.reshape(1, -1), b1.reshape(1, -1)
    be1 = beta1.reshape(1, -1)
    g2, b2r, be2 = gamma2.reshape(1, -1), b2.reshape(1, -1), beta2.reshape(1, -1)
    g3, b3r, be3 = gamma3.reshape(1, -1), b3.reshape(1, -1), beta3.reshape(1, -1)

    elist, counts, degflat = _bucket(ei)
    deg = degflat[:N_NODES].reshape(N_NODES, 1)

    s0, q0 = _tc_colstats(x)
    y = _tc_make_y(x, s0, q0, g0, b0, deg)
    agg1 = _aggregate(y, elist, counts)
    r1, s1, q1 = _tc_layer1(agg1, y, deg, W1, b1r)

    h1 = _tc_bn_apply(r1, s1, q1, g1, be1)
    agg2 = jnp.concatenate(
        [_aggregate(h1[:, :AGG_C], elist, counts),
         _aggregate(h1[:, AGG_C:], elist, counts)], axis=1)
    r2, s2, q2 = _tc_graphconv(agg2, h1, W2_rel, W2_root, b2r)

    h2, p = _tc_bn_matmul(r2, s2, q2, g2, be2, W3_rel)
    agg3 = _aggregate(p, elist, counts)
    r3, s3, q3 = _tc_layer3_tail(agg3, h2, W3_root, b3r)

    return _tc_bn_apply(r3, s3, q3, g3, be3)

# --- scband reference (transcript-rebuilt; emitter-appended) ---
"""Pipeline reference for scband-graph-net3-16080357556244 (READ-ONLY COPY).

The authoritative reference and input builder live on the scoring server;
editing this copy changes nothing except your own understanding.
"""

import jax, jax.numpy as jnp
import numpy as np

N_NODES = 10000
N_EDGES = 160000
C_IN, H1, H2 = 256, 512, 256


def _bn(x, gamma, beta, eps=1e-5):
    mean = jnp.mean(x, axis=0)
    var = jnp.var(x, axis=0)
    return (x - mean) / jnp.sqrt(var + eps) * gamma + beta


def _gcn_conv(x, edge_index, W, b):
    # PyG GCNConv: add self loops, symmetric normalization, out = A_hat @ (x W) + b
    n = x.shape[0]
    loop = jnp.arange(n, dtype=edge_index.dtype)
    src = jnp.concatenate([edge_index[0], loop])
    dst = jnp.concatenate([edge_index[1], loop])
    deg = jnp.zeros((n,), x.dtype).at[dst].add(1.0)
    dinv = jnp.where(deg > 0, 1.0 / jnp.sqrt(deg), 0.0)
    norm = dinv[src] * dinv[dst]
    xw = x @ W
    msg = jnp.take(xw, src, axis=0) * norm[:, None]
    out = jnp.zeros((n, W.shape[1]), x.dtype).at[dst].add(msg)
    return out + b


def _graph_conv(x, edge_index, W_rel, b_rel, W_root):
    # PyG GraphConv (aggr='add'): out = lin_rel(sum_{j->i} x_j) + lin_root(x_i)
    n = x.shape[0]
    agg = jnp.zeros_like(x).at[edge_index[1]].add(jnp.take(x, edge_index[0], axis=0))
    return agg @ W_rel + b_rel + x @ W_root


def setup_inputs(seed: int = 0) -> dict:
    key = jax.random.key(seed)
    ks = jax.random.split(key, 12)
    inp = {}
    inp["x"] = jax.random.normal(ks[0], (N_NODES, C_IN), dtype=jnp.float32)
    inp["edge_index"] = jax.random.randint(ks[1], (2, N_EDGES), 0, N_NODES, dtype=jnp.int32)
    # bn_0 params
    inp["gamma0"] = jnp.ones((C_IN,), jnp.float32)
    inp["beta0"] = jnp.zeros((C_IN,), jnp.float32)
    # gcn_1 (GCNConv c_in -> h1)
    inp["W1"] = jax.random.normal(ks[2], (C_IN, H1), jnp.float32) * (1.0 / np.sqrt(C_IN))
    inp["b1"] = jnp.zeros((H1,), jnp.float32)
    inp["gamma1"] = jnp.ones((H1,), jnp.float32)
    inp["beta1"] = jnp.zeros((H1,), jnp.float32)
    # gcn_2 (GraphConv h1 -> h1)
    inp["W2_rel"] = jax.random.normal(ks[3], (H1, H1), jnp.float32) * (1.0 / np.sqrt(H1))
    inp["b2"] = jnp.zeros((H1,), jnp.float32)
    inp["W2_root"] = jax.random.normal(ks[4], (H1, H1), jnp.float32) * (1.0 / np.sqrt(H1))
    inp["gamma2"] = jnp.ones((H1,), jnp.float32)
    inp["beta2"] = jnp.zeros((H1,), jnp.float32)
    # gcn_3 (GraphConv h1 -> h2)
    inp["W3_rel"] = jax.random.normal(ks[5], (H1, H2), jnp.float32) * (1.0 / np.sqrt(H1))
    inp["b3"] = jnp.zeros((H2,), jnp.float32)
    inp["W3_root"] = jax.random.normal(ks[6], (H1, H2), jnp.float32) * (1.0 / np.sqrt(H1))
    inp["gamma3"] = jnp.ones((H2,), jnp.float32)
    inp["beta3"] = jnp.zeros((H2,), jnp.float32)
    return inp


def reference(x, edge_index, gamma0, beta0, W1, b1, gamma1, beta1,
              W2_rel, b2, W2_root, gamma2, beta2,
              W3_rel, b3, W3_root, gamma3, beta3):
    xn = _bn(x, gamma0, beta0)
    h = _bn(jax.nn.relu(_gcn_conv(xn, edge_index, W1, b1)), gamma1, beta1)
    h = _bn(jax.nn.relu(_graph_conv(h, edge_index, W2_rel, b2, W2_root)), gamma2, beta2)
    h = _bn(jax.nn.relu(_graph_conv(h, edge_index, W3_rel, b3, W3_root)), gamma3, beta3)
    return h

if __name__ == "__main__":
    import jax
    _d = setup_inputs()
    print(jax.jit(kernel)(*tuple(_d.values())))

</pallas_src>

<mosaic_0001>
#map = affine_map<(d0, d1) -> (0)>
module attributes {stable_mosaic.version = 14 : i64} {
  func.func @bucket_kernel(%arg0: i32, %arg1: i32, %arg2: memref<160000xi32, #tpu.memory_space<hbm>>, %arg3: memref<160000xi32, #tpu.memory_space<hbm>>, %arg4: memref<5185536xi32, #tpu.memory_space<hbm>>, %arg5: memref<512xi32, #tpu.memory_space<hbm>>, %arg6: memref<10240xf32, #tpu.memory_space<hbm>>, %arg7: memref<2000xi32, #tpu.memory_space<vmem>>, %arg8: memref<2000xi32, #tpu.memory_space<vmem>>, %arg9: memref<4128xi32, #tpu.memory_space<vmem>>, %arg10: memref<16xi32, #tpu.memory_space<vmem>>, %arg11: memref<336xf32, #tpu.memory_space<vmem>>) attributes {dimension_semantics = [#tpu.dimension_semantics<core_parallel>, #tpu.dimension_semantics<subcore_parallel>], iteration_bounds = array<i64: 2, 16>, scalar_prefetch = 0 : i64, scratch_operands = 5 : i64, tpu.core_type = #tpu.core_type<sc_vector_subcore>, window_params = [{transform_indices = #map}, {transform_indices = #map}, {transform_indices = #map}, {transform_indices = #map}, {transform_indices = #map}]} {
    %mul3A = arith.constant 2 : i32
    %mul3A_0 = arith.muli %arg1, %mul3A : i32
    %add3A = arith.addi %mul3A_0, %arg0 : i32
    %mul3A_1 = arith.constant 320 : i32
    %mul3A_2 = arith.muli %add3A, %mul3A_1 : i32
    %multiple_of3A = tpu.assume_multiple %mul3A_2, 8 : i32
    %mul3A_3 = arith.constant 162048 : i32
    %mul3A_4 = arith.muli %add3A, %mul3A_3 : i32
    %multiple_of3A_5 = tpu.assume_multiple %mul3A_4, 8 : i32
    %iota3A = tpu.iota {dimensions = array<i32: 0>} : vector<16xi32>
    %eq3A = arith.constant 0 : i32
    %eq3A_6 = vector.broadcast %eq3A : i32 to vector<16xi32>
    %eq3A_7 = arith.cmpi eq, %iota3A, %eq3A_6 : vector<16xi32>
    %eq3A_8 = arith.constant 1 : i32
    %eq3A_9 = vector.broadcast %eq3A_8 : i32 to vector<16xi32>
    %eq3A_10 = arith.cmpi eq, %iota3A, %eq3A_9 : vector<16xi32>
    %eq3A_11 = arith.constant 2 : i32
    %eq3A_12 = vector.broadcast %eq3A_11 : i32 to vector<16xi32>
    %eq3A_13 = arith.cmpi eq, %iota3A, %eq3A_12 : vector<16xi32>
    %eq3A_14 = arith.constant 3 : i32
    %eq3A_15 = vector.broadcast %eq3A_14 : i32 to vector<16xi32>
    %eq3A_16 = arith.cmpi eq, %iota3A, %eq3A_15 : vector<16xi32>
    %eq3A_17 = arith.constant 4 : i32
    %eq3A_18 = vector.broadcast %eq3A_17 : i32 to vector<16xi32>
    %eq3A_19 = arith.cmpi eq, %iota3A, %eq3A_18 : vector<16xi32>
    %eq3A_20 = arith.constant 5 : i32
    %eq3A_21 = vector.broadcast %eq3A_20 : i32 to vector<16xi32>
    %eq3A_22 = arith.cmpi eq, %iota3A, %eq3A_21 : vector<16xi32>
    %eq3A_23 = arith.constant 6 : i32
    %eq3A_24 = vector.broadcast %eq3A_23 : i32 to vector<16xi32>
    %eq3A_25 = arith.cmpi eq, %iota3A, %eq3A_24 : vector<16xi32>
    %eq3A_26 = arith.constant 7 : i32
    %eq3A_27 = vector.broadcast %eq3A_26 : i32 to vector<16xi32>
    %eq3A_28 = arith.cmpi eq, %iota3A, %eq3A_27 : vector<16xi32>
    %eq3A_29 = arith.constant 8 : i32
    %eq3A_30 = vector.broadcast %eq3A_29 : i32 to vector<16xi32>
    %eq3A_31 = arith.cmpi eq, %iota3A, %eq3A_30 : vector<16xi32>
    %eq3A_32 = arith.constant 9 : i32
    %eq3A_33 = vector.broadcast %eq3A_32 : i32 to vector<16xi32>
    %eq3A_34 = arith.cmpi eq, %iota3A, %eq3A_33 : vector<16xi32>
    %eq3A_35 = arith.constant 10 : i32
    %eq3A_36 = vector.broadcast %eq3A_35 : i32 to vector<16xi32>
    %eq3A_37 = arith.cmpi eq, %iota3A, %eq3A_36 : vector<16xi32>
    %eq3A_38 = arith.constant 11 : i32
    %eq3A_39 = vector.broadcast %eq3A_38 : i32 to vector<16xi32>
    %eq3A_40 = arith.cmpi eq, %iota3A, %eq3A_39 : vector<16xi32>
    %eq3A_41 = arith.constant 12 : i32
    %eq3A_42 = vector.broadcast %eq3A_41 : i32 to vector<16xi32>
    %eq3A_43 = arith.cmpi eq, %iota3A, %eq3A_42 : vector<16xi32>
    %eq3A_44 = arith.constant 13 : i32
    %eq3A_45 = vector.broadcast %eq3A_44 : i32 to vector<16xi32>
    %eq3A_46 = arith.cmpi eq, %iota3A, %eq3A_45 : vector<16xi32>
    %eq3A_47 = arith.constant 14 : i32
    %eq3A_48 = vector.broadcast %eq3A_47 : i32 to vector<16xi32>
    %eq3A_49 = arith.cmpi eq, %iota3A, %eq3A_48 : vector<16xi32>
    %eq3A_50 = arith.constant 15 : i32
    %eq3A_51 = vector.broadcast %eq3A_50 : i32 to vector<16xi32>
    %eq3A_52 = arith.cmpi eq, %iota3A, %eq3A_51 : vector<16xi32>
    %broadcast_in_dim3A = arith.constant 1.000000e+00 : f32
    %broadcast_in_dim3A_53 = vector.broadcast %broadcast_in_dim3A : f32 to vector<16xf32>
    %broadcast_in_dim3A_54 = arith.constant 5242880 : i32
    %broadcast_in_dim3A_55 = vector.broadcast %broadcast_in_dim3A_54 : i32 to vector<16xi32>
    %scan3A = arith.constant 0 : i32
    %scan3A_56 = arith.constant 21 : i32
    %scan3A_57 = arith.addi %scan3A, %scan3A_56 : i32
    %scan3A_58 = arith.constant 1 : i32
    scf.for %scan3A_136 = %scan3A to %scan3A_57 step %scan3A_58  : i32 {
      %mul3A_137 = arith.constant 1 : i32
      %mul3A_138 = arith.muli %scan3A_136, %mul3A_137 : i32
      %add3A_139 = arith.constant 0 : i32
      %add3A_140 = arith.addi %add3A_139, %mul3A_138 : i32
      %broadcast_in_dim3A_141 = arith.constant 0.000000e+00 : f32
      %broadcast_in_dim3A_142 = vector.broadcast %broadcast_in_dim3A_141 : f32 to vector<16xf32>
      %mul3A_143 = arith.constant 16 : i32
      %mul3A_144 = arith.muli %add3A_140, %mul3A_143 : i32
      %swap3A_145 = arith.index_cast %mul3A_144 : i32 to index
      %swap3A_146 = tpu.vector_load %arg11[%swap3A_145] {strides = array<i32>} : memref<336xf32, #tpu.memory_space<vmem>>, vector<16xf32>,
      tpu.vector_store %arg11[%swap3A_145], %broadcast_in_dim3A_142 {strides = array<i32>} : memref<336xf32, #tpu.memory_space<vmem>>, vector<16xf32>,
    }
    %scan3A_59 = arith.constant 21 : i32
    %scan3A_60 = arith.constant 0 : i32
    %scan3A_61 = arith.constant 0 : i32
    %scan3A_62 = arith.constant 0 : i32
    %scan3A_63 = arith.constant 80 : i32
    %scan3A_64 = arith.addi %scan3A_62, %scan3A_63 : i32
    %scan3A_65 = arith.constant 1 : i32
    %scan3A_66:2 = scf.for %scan3A_136 = %scan3A_62 to %scan3A_64 step %scan3A_65 iter_args(%scan3A_137 = %scan3A_60, %scan3A_138 = %scan3A_61) -> (i32, i32)  : i32 {
      %mul3A_139 = arith.constant 2000 : i32
      %mul3A_140 = arith.muli %scan3A_136, %mul3A_139 : i32
      "tpu.region"() ({
        %run_scoped3A = tpu.sem_alloc : memref<!tpu.dma_semaphore, #tpu.memory_space<semaphore_mem>>
        %dma_start3A = tpu.memref_slice %arg2[%mul3A_140] : memref<160000xi32, #tpu.memory_space<hbm>> -> memref<2000xi32, #tpu.memory_space<hbm>>
        %dma_start3A_158 = tpu.memref_slice %arg2[%mul3A_140] : memref<160000xi32, #tpu.memory_space<hbm>> -> memref<2000xi32, #tpu.memory_space<hbm>>
        tpu.enqueue_dma source(%dma_start3A_158 : memref<2000xi32, #tpu.memory_space<hbm>>) target(%arg7 : memref<2000xi32, #tpu.memory_space<vmem>>) target_semaphore(%run_scoped3A : memref<!tpu.dma_semaphore, #tpu.memory_space<semaphore_mem>>)
        %dma_wait3A = tpu.memref_slice %arg2[%mul3A_140] : memref<160000xi32, #tpu.memory_space<hbm>> -> memref<2000xi32, #tpu.memory_space<hbm>>
        %dma_wait3A_159 = tpu.memref_slice %arg2[%mul3A_140] : memref<160000xi32, #tpu.memory_space<hbm>> -> memref<2000xi32, #tpu.memory_space<hbm>>
        tpu.wait_dma2 semaphore(%run_scoped3A : memref<!tpu.dma_semaphore, #tpu.memory_space<semaphore_mem>>) src(%dma_wait3A_159 : memref<2000xi32, #tpu.memory_space<hbm>>) dst(%arg7 : memref<2000xi32, #tpu.memory_space<vmem>>)
        tpu.yield
      }) : () -> ()
      "tpu.region"() ({
        %run_scoped3A = tpu.sem_alloc : memref<!tpu.dma_semaphore, #tpu.memory_space<semaphore_mem>>
        %dma_start3A = tpu.memref_slice %arg3[%mul3A_140] : memref<160000xi32, #tpu.memory_space<hbm>> -> memref<2000xi32, #tpu.memory_space<hbm>>
        %dma_start3A_158 = tpu.memref_slice %arg3[%mul3A_140] : memref<160000xi32, #tpu.memory_space<hbm>> -> memref<2000xi32, #tpu.memory_space<hbm>>
        tpu.enqueue_dma source(%dma_start3A_158 : memref<2000xi32, #tpu.memory_space<hbm>>) target(%arg8 : memref<2000xi32, #tpu.memory_space<vmem>>) target_semaphore(%run_scoped3A : memref<!tpu.dma_semaphore, #tpu.memory_space<semaphore_mem>>)
        %dma_wait3A = tpu.memref_slice %arg3[%mul3A_140] : memref<160000xi32, #tpu.memory_space<hbm>> -> memref<2000xi32, #tpu.memory_space<hbm>>
        %dma_wait3A_159 = tpu.memref_slice %arg3[%mul3A_140] : memref<160000xi32, #tpu.memory_space<hbm>> -> memref<2000xi32, #tpu.memory_space<hbm>>
        tpu.wait_dma2 semaphore(%run_scoped3A : memref<!tpu.dma_semaphore, #tpu.memory_space<semaphore_mem>>) src(%dma_wait3A_159 : memref<2000xi32, #tpu.memory_space<hbm>>) dst(%arg8 : memref<2000xi32, #tpu.memory_space<vmem>>)
        tpu.yield
      }) : () -> ()
      %scan3A_141 = arith.constant 0 : i32
      %scan3A_142 = arith.constant 125 : i32
      %scan3A_143 = arith.addi %scan3A_141, %scan3A_142 : i32
      %scan3A_144 = arith.constant 1 : i32
      %scan3A_145 = scf.for %scan3A_158 = %scan3A_141 to %scan3A_143 step %scan3A_144 iter_args(%scan3A_159 = %scan3A_137) -> (i32)  : i32 {
        %mul3A_160 = arith.constant 16 : i32
        %mul3A_161 = arith.muli %scan3A_158, %mul3A_160 : i32
        %get3A = arith.index_cast %mul3A_161 : i32 to index
        %get3A_162 = tpu.vector_load %arg8[%get3A] {strides = array<i32>} : memref<2000xi32, #tpu.memory_space<vmem>>, vector<16xi32>,
        %mul3A_163 = arith.constant 16 : i32
        %mul3A_164 = arith.muli %scan3A_158, %mul3A_163 : i32
        %get3A_165 = arith.index_cast %mul3A_164 : i32 to index
        %get3A_166 = tpu.vector_load %arg7[%get3A_165] {strides = array<i32>} : memref<2000xi32, #tpu.memory_space<vmem>>, vector<16xi32>,
        %sub3A_167 = vector.broadcast %multiple_of3A : i32 to vector<16xi32>
        %sub3A_168 = arith.subi %get3A_162, %sub3A_167 : vector<16xi32>
        %ge3A_169 = arith.constant 0 : i32
        %ge3A_170 = vector.broadcast %ge3A_169 : i32 to vector<16xi32>
        %ge3A_171 = arith.cmpi sge, %sub3A_168, %ge3A_170 : vector<16xi32>
        %lt3A = arith.constant 320 : i32
        %lt3A_172 = vector.broadcast %lt3A : i32 to vector<16xi32>
        %lt3A_173 = arith.cmpi slt, %sub3A_168, %lt3A_172 : vector<16xi32>
        %and3A_174 = arith.andi %ge3A_171, %lt3A_173 : vector<16xi1>
        %shift_left3A = arith.constant 14 : i32
        %shift_left3A_175 = vector.broadcast %shift_left3A : i32 to vector<16xi32>
        %shift_left3A_176 = arith.shli %sub3A_168, %shift_left3A_175 : vector<16xi32>
        %or3A = arith.ori %get3A_166, %shift_left3A_176 : vector<16xi32>
        %swap3A_177 = arith.index_cast %scan3A_159 : i32 to index
        %swap3A_178 = tpu.vector_load %arg9[%swap3A_177] masked %and3A_174 {strides = array<i32>} : memref<4128xi32, #tpu.memory_space<vmem>>, vector<16xi32>, vector<16xi1>
        tpu.vector_store %arg9[%swap3A_177], %or3A masked %and3A_174 {strides = array<i32>} : memref<4128xi32, #tpu.memory_space<vmem>>, vector<16xi32>, vector<16xi1>
        %all_reduce_population_count3A = tpu.all_reduce %and3A_174 {dim = 0 : i64, kind = #tpu.reduction_kind<sum>} : vector<16xi1> -> vector<16xi32>
        %reduce_max3A = arith.constant true
        %reduce_max3A_179 = vector.broadcast %reduce_max3A : i1 to vector<16xi1>
        %reduce_max3A_180 = arith.constant -2147483648 : i32
        %reduce_max3A_181 = vector.broadcast %reduce_max3A_180 : i32 to vector<16xi32>
        %reduce_max3A_182 = arith.xori %all_reduce_population_count3A, %reduce_max3A_181 : vector<16xi32>
        %reduce_max3A_183 = tpu.scan <max>, %reduce_max3A_182 masked %reduce_max3A_179 : vector<16xi32>, vector<16xi1> -> vector<16xi32>
        %reduce_max3A_184 = arith.xori %reduce_max3A_183, %reduce_max3A_181 : vector<16xi32>
        %reduce_max3A_185 = vector.extract %reduce_max3A_184[15] : i32 from vector<16xi32>
        %add3A_186 = arith.addi %scan3A_159, %reduce_max3A_185 : i32
        scf.yield %add3A_186 : i32
      }
      %scan3A_146 = arith.constant 125 : i32
      %ge3A = arith.constant 2048 : i32
      %ge3A_147 = arith.cmpi sge, %scan3A_145, %ge3A : i32
      %convert_element_type3A_148 = arith.extui %ge3A_147 : i1 to i32
      %cond3A_149 = arith.constant 0 : i32
      %cond3A_150 = arith.cmpi ne, %convert_element_type3A_148, %cond3A_149 : i32
      scf.if %cond3A_150 {
        %scan3A_158 = arith.constant 0 : i32
        %scan3A_159 = arith.constant 0 : i32
        %scan3A_160 = arith.constant 128 : i32
        %scan3A_161 = arith.addi %scan3A_159, %scan3A_160 : i32
        %scan3A_162 = arith.constant 1 : i32
        %scan3A_163 = scf.for %scan3A_207 = %scan3A_159 to %scan3A_161 step %scan3A_162 iter_args(%scan3A_208 = %scan3A_158) -> (i32)  : i32 {
          %mul3A_209 = arith.constant 16 : i32
          %mul3A_210 = arith.muli %scan3A_207, %mul3A_209 : i32
          %add3A_211 = arith.constant 0 : i32
          %add3A_212 = arith.addi %add3A_211, %mul3A_210 : i32
          %get3A = arith.index_cast %add3A_212 : i32 to index
          %get3A_213 = tpu.vector_load %arg9[%get3A] {strides = array<i32>} : memref<4128xi32, #tpu.memory_space<vmem>>, vector<16xi32>,
          %shift_right_arithmetic3A = arith.constant 14 : i32
          %shift_right_arithmetic3A_214 = vector.broadcast %shift_right_arithmetic3A : i32 to vector<16xi32>
          %shift_right_arithmetic3A_215 = arith.shrsi %get3A_213, %shift_right_arithmetic3A_214 : vector<16xi32>
          %lt3A = arith.constant 320 : i32
          %lt3A_216 = vector.broadcast %lt3A : i32 to vector<16xi32>
          %lt3A_217 = arith.cmpi slt, %shift_right_arithmetic3A_215, %lt3A_216 : vector<16xi32>
          %and3A_218 = arith.andi %eq3A_7, %lt3A_217 : vector<16xi1>
          tpu.vector_store_idx %arg11[%shift_right_arithmetic3A_215], %broadcast_in_dim3A_53 masked %and3A_218 {add = true} : memref<336xf32, #tpu.memory_space<vmem>>[vector<16xi32>], vector<16xf32>, vector<16xi1>
          %lt3A_219 = arith.constant 320 : i32
          %lt3A_220 = vector.broadcast %lt3A_219 : i32 to vector<16xi32>
          %lt3A_221 = arith.cmpi slt, %shift_right_arithmetic3A_215, %lt3A_220 : vector<16xi32>
          %and3A_222 = arith.andi %eq3A_10, %lt3A_221 : vector<16xi1>
          tpu.vector_store_idx %arg11[%shift_right_arithmetic3A_215], %broadcast_in_dim3A_53 masked %and3A_222 {add = true} : memref<336xf32, #tpu.memory_space<vmem>>[vector<16xi32>], vector<16xf32>, vector<16xi1>
          %lt3A_223 = arith.constant 320 : i32
          %lt3A_224 = vector.broadcast %lt3A_223 : i32 to vector<16xi32>
          %lt3A_225 = arith.cmpi slt, %shift_right_arithmetic3A_215, %lt3A_224 : vector<16xi32>
          %and3A_226 = arith.andi %eq3A_13, %lt3A_225 : vector<16xi1>
          tpu.vector_store_idx %arg11[%shift_right_arithmetic3A_215], %broadcast_in_dim3A_53 masked %and3A_226 {add = true} : memref<336xf32, #tpu.memory_space<vmem>>[vector<16xi32>], vector<16xf32>, vector<16xi1>
          %lt3A_227 = arith.constant 320 : i32
          %lt3A_228 = vector.broadcast %lt3A_227 : i32 to vector<16xi32>
          %lt3A_229 = arith.cmpi slt, %shift_right_arithmetic3A_215, %lt3A_228 : vector<16xi32>
          %and3A_230 = arith.andi %eq3A_16, %lt3A_229 : vector<16xi1>
          tpu.vector_store_idx %arg11[%shift_right_arithmetic3A_215], %broadcast_in_dim3A_53 masked %and3A_230 {add = true} : memref<336xf32, #tpu.memory_space<vmem>>[vector<16xi32>], vector<16xf32>, vector<16xi1>
          %lt3A_231 = arith.constant 320 : i32
          %lt3A_232 = vector.broadcast %lt3A_231 : i32 to vector<16xi32>
          %lt3A_233 = arith.cmpi slt, %shift_right_arithmetic3A_215, %lt3A_232 : vector<16xi32>
          %and3A_234 = arith.andi %eq3A_19, %lt3A_233 : vector<16xi1>
          tpu.vector_store_idx %arg11[%shift_right_arithmetic3A_215], %broadcast_in_dim3A_53 masked %and3A_234 {add = true} : memref<336xf32, #tpu.memory_space<vmem>>[vector<16xi32>], vector<16xf32>, vector<16xi1>
          %lt3A_235 = arith.constant 320 : i32
          %lt3A_236 = vector.broadcast %lt3A_235 : i32 to vector<16xi32>
          %lt3A_237 = arith.cmpi slt, %shift_right_arithmetic3A_215, %lt3A_236 : vector<16xi32>
          %and3A_238 = arith.andi %eq3A_22, %lt3A_237 : vector<16xi1>
          tpu.vector_store_idx %arg11[%shift_right_arithmetic3A_215], %broadcast_in_dim3A_53 masked %and3A_238 {add = true} : memref<336xf32, #tpu.memory_space<vmem>>[vector<16xi32>], vector<16xf32>, vector<16xi1>
          %lt3A_239 = arith.constant 320 : i32
          %lt3A_240 = vector.broadcast %lt3A_239 : i32 to vector<16xi32>
          %lt3A_241 = arith.cmpi slt, %shift_right_arithmetic3A_215, %lt3A_240 : vector<16xi32>
          %and3A_242 = arith.andi %eq3A_25, %lt3A_241 : vector<16xi1>
          tpu.vector_store_idx %arg11[%shift_right_arithmetic3A_215], %broadcast_in_dim3A_53 masked %and3A_242 {add = true} : memref<336xf32, #tpu.memory_space<vmem>>[vector<16xi32>], vector<16xf32>, vector<16xi1>
          %lt3A_243 = arith.constant 320 : i32
          %lt3A_244 = vector.broadcast %lt3A_243 : i32 to vector<16xi32>
          %lt3A_245 = arith.cmpi slt, %shift_right_arithmetic3A_215, %lt3A_244 : vector<16xi32>
          %and3A_246 = arith.andi %eq3A_28, %lt3A_245 : vector<16xi1>
          tpu.vector_store_idx %arg11[%shift_right_arithmetic3A_215], %broadcast_in_dim3A_53 masked %and3A_246 {add = true} : memref<336xf32, #tpu.memory_space<vmem>>[vector<16xi32>], vector<16xf32>, vector<16xi1>
          %lt3A_247 = arith.constant 320 : i32
          %lt3A_248 = vector.broadcast %lt3A_247 : i32 to vector<16xi32>
          %lt3A_249 = arith.cmpi slt, %shift_right_arithmetic3A_215, %lt3A_248 : vector<16xi32>
          %and3A_250 = arith.andi %eq3A_31, %lt3A_249 : vector<16xi1>
          tpu.vector_store_idx %arg11[%shift_right_arithmetic3A_215], %broadcast_in_dim3A_53 masked %and3A_250 {add = true} : memref<336xf32, #tpu.memory_space<vmem>>[vector<16xi32>], vector<16xf32>, vector<16xi1>
          %lt3A_251 = arith.constant 320 : i32
          %lt3A_252 = vector.broadcast %lt3A_251 : i32 to vector<16xi32>
          %lt3A_253 = arith.cmpi slt, %shift_right_arithmetic3A_215, %lt3A_252 : vector<16xi32>
          %and3A_254 = arith.andi %eq3A_34, %lt3A_253 : vector<16xi1>
          tpu.vector_store_idx %arg11[%shift_right_arithmetic3A_215], %broadcast_in_dim3A_53 masked %and3A_254 {add = true} : memref<336xf32, #tpu.memory_space<vmem>>[vector<16xi32>], vector<16xf32>, vector<16xi1>
          %lt3A_255 = arith.constant 320 : i32
          %lt3A_256 = vector.broadcast %lt3A_255 : i32 to vector<16xi32>
          %lt3A_257 = arith.cmpi slt, %shift_right_arithmetic3A_215, %lt3A_256 : vector<16xi32>
          %and3A_258 = arith.andi %eq3A_37, %lt3A_257 : vector<16xi1>
          tpu.vector_store_idx %arg11[%shift_right_arithmetic3A_215], %broadcast_in_dim3A_53 masked %and3A_258 {add = true} : memref<336xf32, #tpu.memory_space<vmem>>[vector<16xi32>], vector<16xf32>, vector<16xi1>
          %lt3A_259 = arith.constant 320 : i32
          %lt3A_260 = vector.broadcast %lt3A_259 : i32 to vector<16xi32>
          %lt3A_261 = arith.cmpi slt, %shift_right_arithmetic3A_215, %lt3A_260 : vector<16xi32>
          %and3A_262 = arith.andi %eq3A_40, %lt3A_261 : vector<16xi1>
          tpu.vector_store_idx %arg11[%shift_right_arithmetic3A_215], %broadcast_in_dim3A_53 masked %and3A_262 {add = true} : memref<336xf32, #tpu.memory_space<vmem>>[vector<16xi32>], vector<16xf32>, vector<16xi1>
          %lt3A_263 = arith.constant 320 : i32
          %lt3A_264 = vector.broadcast %lt3A_263 : i32 to vector<16xi32>
          %lt3A_265 = arith.cmpi slt, %shift_right_arithmetic3A_215, %lt3A_264 : vector<16xi32>
          %and3A_266 = arith.andi %eq3A_43, %lt3A_265 : vector<16xi1>
          tpu.vector_store_idx %arg11[%shift_right_arithmetic3A_215], %broadcast_in_dim3A_53 masked %and3A_266 {add = true} : memref<336xf32, #tpu.memory_space<vmem>>[vector<16xi32>], vector<16xf32>, vector<16xi1>
          %lt3A_267 = arith.constant 320 : i32
          %lt3A_268 = vector.broadcast %lt3A_267 : i32 to vector<16xi32>
          %lt3A_269 = arith.cmpi slt, %shift_right_arithmetic3A_215, %lt3A_268 : vector<16xi32>
          %and3A_270 = arith.andi %eq3A_46, %lt3A_269 : vector<16xi1>
          tpu.vector_store_idx %arg11[%shift_right_arithmetic3A_215], %broadcast_in_dim3A_53 masked %and3A_270 {add = true} : memref<336xf32, #tpu.memory_space<vmem>>[vector<16xi32>], vector<16xf32>, vector<16xi1>
          %lt3A_271 = arith.constant 320 : i32
          %lt3A_272 = vector.broadcast %lt3A_271 : i32 to vector<16xi32>
          %lt3A_273 = arith.cmpi slt, %shift_right_arithmetic3A_215, %lt3A_272 : vector<16xi32>
          %and3A_274 = arith.andi %eq3A_49, %lt3A_273 : vector<16xi1>
          tpu.vector_store_idx %arg11[%shift_right_arithmetic3A_215], %broadcast_in_dim3A_53 masked %and3A_274 {add = true} : memref<336xf32, #tpu.memory_space<vmem>>[vector<16xi32>], vector<16xf32>, vector<16xi1>
          %lt3A_275 = arith.constant 320 : i32
          %lt3A_276 = vector.broadcast %lt3A_275 : i32 to vector<16xi32>
          %lt3A_277 = arith.cmpi slt, %shift_right_arithmetic3A_215, %lt3A_276 : vector<16xi32>
          %and3A_278 = arith.andi %eq3A_52, %lt3A_277 : vector<16xi1>
          tpu.vector_store_idx %arg11[%shift_right_arithmetic3A_215], %broadcast_in_dim3A_53 masked %and3A_278 {add = true} : memref<336xf32, #tpu.memory_space<vmem>>[vector<16xi32>], vector<16xf32>, vector<16xi1>
          %scan3A_279 = arith.constant 0 : i32
          scf.yield %scan3A_279 : i32
        }
        %scan3A_164 = arith.constant 128 : i32
        %add3A_165 = arith.addi %multiple_of3A_5, %scan3A_138 : i32
        %multiple_of3A_166 = tpu.assume_multiple %add3A_165, 8 : i32
        "tpu.region"() ({
          %run_scoped3A = tpu.sem_alloc : memref<!tpu.dma_semaphore, #tpu.memory_space<semaphore_mem>>
          %dma_start3A = arith.constant 0 : i32
          %dma_start3A_207 = tpu.memref_slice %arg9[%dma_start3A] : memref<4128xi32, #tpu.memory_space<vmem>> -> memref<2048xi32, #tpu.memory_space<vmem>>
          %dma_start3A_208 = tpu.memref_slice %arg4[%multiple_of3A_166] : memref<5185536xi32, #tpu.memory_space<hbm>> -> memref<2048xi32, #tpu.memory_space<hbm>>
          %dma_start3A_209 = tpu.memref_slice %arg4[%multiple_of3A_166] : memref<5185536xi32, #tpu.memory_space<hbm>> -> memref<2048xi32, #tpu.memory_space<hbm>>
          %dma_start3A_210 = arith.constant 0 : i32
          %dma_start3A_211 = tpu.memref_slice %arg9[%dma_start3A_210] : memref<4128xi32, #tpu.memory_space<vmem>> -> memref<2048xi32, #tpu.memory_space<vmem>>
          tpu.enqueue_dma source(%dma_start3A_211 : memref<2048xi32, #tpu.memory_space<vmem>>) target(%dma_start3A_209 : memref<2048xi32, #tpu.memory_space<hbm>>) target_semaphore(%run_scoped3A : memref<!tpu.dma_semaphore, #tpu.memory_space<semaphore_mem>>)
          %dma_wait3A = arith.constant 0 : i32
          %dma_wait3A_212 = tpu.memref_slice %arg9[%dma_wait3A] : memref<4128xi32, #tpu.memory_space<vmem>> -> memref<2048xi32, #tpu.memory_space<vmem>>
          %dma_wait3A_213 = tpu.memref_slice %arg4[%multiple_of3A_166] : memref<5185536xi32, #tpu.memory_space<hbm>> -> memref<2048xi32, #tpu.memory_space<hbm>>
          %dma_wait3A_214 = tpu.memref_slice %arg4[%multiple_of3A_166] : memref<5185536xi32, #tpu.memory_space<hbm>> -> memref<2048xi32, #tpu.memory_space<hbm>>
          %dma_wait3A_215 = arith.constant 0 : i32
          %dma_wait3A_216 = tpu.memref_slice %arg9[%dma_wait3A_215] : memref<4128xi32, #tpu.memory_space<vmem>> -> memref<2048xi32, #tpu.memory_space<vmem>>
          tpu.wait_dma2 semaphore(%run_scoped3A : memref<!tpu.dma_semaphore, #tpu.memory_space<semaphore_mem>>) src(%dma_wait3A_216 : memref<2048xi32, #tpu.memory_space<vmem>>) dst(%dma_wait3A_214 : memref<2048xi32, #tpu.memory_space<hbm>>)
          tpu.yield
        }) : () -> ()
        %sub3A_167 = arith.constant 2048 : i32
        %sub3A_168 = arith.subi %scan3A_145, %sub3A_167 : i32
        %add3A_169 = arith.constant 15 : i32
        %add3A_170 = arith.addi %sub3A_168, %add3A_169 : i32
        %jit3A_171 = arith.constant 16 : i32
        %div3A_172 = arith.divsi %add3A_170, %jit3A_171 : i32
        %sign3A_173 = arith.constant 0 : i32
        %sign3A_174 = arith.cmpi sgt, %add3A_170, %sign3A_173 : i32
        %sign3A_175 = arith.extui %sign3A_174 : i1 to i32
        %sign3A_176 = arith.constant 0 : i32
        %sign3A_177 = arith.cmpi slt, %add3A_170, %sign3A_176 : i32
        %sign3A_178 = arith.extui %sign3A_177 : i1 to i32
        %sign3A_179 = arith.subi %sign3A_175, %sign3A_178 : i32
        %sign3A_180 = arith.constant 0 : i32
        %sign3A_181 = arith.cmpi sgt, %jit3A_171, %sign3A_180 : i32
        %sign3A_182 = arith.extui %sign3A_181 : i1 to i32
        %sign3A_183 = arith.constant 0 : i32
        %sign3A_184 = arith.cmpi slt, %jit3A_171, %sign3A_183 : i32
        %sign3A_185 = arith.extui %sign3A_184 : i1 to i32
        %sign3A_186 = arith.subi %sign3A_182, %sign3A_185 : i32
        %ne3A_187 = arith.cmpi ne, %sign3A_179, %sign3A_186 : i32
        %rem3A_188 = arith.remsi %add3A_170, %jit3A_171 : i32
        %ne3A_189 = arith.constant 0 : i32
        %ne3A_190 = arith.cmpi ne, %rem3A_188, %ne3A_189 : i32
        %and3A_191 = arith.andi %ne3A_187, %ne3A_190 : i1
        %sub3A_192 = arith.constant 1 : i32
        %sub3A_193 = arith.subi %div3A_172, %sub3A_192 : i32
        %select_n3A_194 = arith.select %and3A_191, %sub3A_193, %div3A_172 : i32
        %while3A_195 = arith.constant 0 : i32
        %while3A_196 = arith.constant 0 : i32
        %while3A_197 = arith.subi %select_n3A_194, %while3A_195 : i32
        %while3A_198 = arith.addi %while3A_195, %while3A_197 : i32
        %while3A_199 = arith.constant 1 : i32
        %while3A_200 = arith.divsi %while3A_197, %while3A_199 : i32
        %while3A_201 = arith.muli %while3A_200, %while3A_199 : i32
        %while3A_202 = arith.addi %while3A_195, %while3A_201 : i32
        %while3A_203 = arith.constant 1 : i32
        %while3A_204 = scf.for %while3A_207 = %while3A_195 to %while3A_202 step %while3A_203 iter_args(%while3A_208 = %while3A_196) -> (i32)  : i32 {
          %mul3A_209 = arith.constant 16 : i32
          %mul3A_210 = arith.muli %while3A_207, %mul3A_209 : i32
          %add3A_211 = arith.constant 2048 : i32
          %add3A_212 = arith.addi %add3A_211, %mul3A_210 : i32
          %get3A = arith.index_cast %add3A_212 : i32 to index
          %get3A_213 = tpu.vector_load %arg9[%get3A] {strides = array<i32>} : memref<4128xi32, #tpu.memory_space<vmem>>, vector<16xi32>,
          %mul3A_214 = arith.constant 16 : i32
          %mul3A_215 = arith.muli %while3A_207, %mul3A_214 : i32
          %swap3A_216 = arith.index_cast %mul3A_215 : i32 to index
          %swap3A_217 = tpu.vector_load %arg9[%swap3A_216] {strides = array<i32>} : memref<4128xi32, #tpu.memory_space<vmem>>, vector<16xi32>,
          tpu.vector_store %arg9[%swap3A_216], %get3A_213 {strides = array<i32>} : memref<4128xi32, #tpu.memory_space<vmem>>, vector<16xi32>,
          %while3A_218 = arith.constant 0 : i32
          scf.yield %while3A_218 : i32
        }
        %while3A_205 = arith.constant 1 : i32
        %while3A_206 = scf.for %while3A_207 = %while3A_202 to %while3A_198 step %while3A_205 iter_args(%while3A_208 = %while3A_204) -> (i32)  : i32 {
          %mul3A_209 = arith.constant 16 : i32
          %mul3A_210 = arith.muli %while3A_207, %mul3A_209 : i32
          %add3A_211 = arith.constant 2048 : i32
          %add3A_212 = arith.addi %add3A_211, %mul3A_210 : i32
          %get3A = arith.index_cast %add3A_212 : i32 to index
          %get3A_213 = tpu.vector_load %arg9[%get3A] {strides = array<i32>} : memref<4128xi32, #tpu.memory_space<vmem>>, vector<16xi32>,
          %mul3A_214 = arith.constant 16 : i32
          %mul3A_215 = arith.muli %while3A_207, %mul3A_214 : i32
          %swap3A_216 = arith.index_cast %mul3A_215 : i32 to index
          %swap3A_217 = tpu.vector_load %arg9[%swap3A_216] {strides = array<i32>} : memref<4128xi32, #tpu.memory_space<vmem>>, vector<16xi32>,
          tpu.vector_store %arg9[%swap3A_216], %get3A_213 {strides = array<i32>} : memref<4128xi32, #tpu.memory_space<vmem>>, vector<16xi32>,
          %while3A_218 = arith.constant 0 : i32
          scf.yield %while3A_218 : i32
        }
      } else {
      }
      %ge3A_151 = arith.constant 2048 : i32
      %ge3A_152 = arith.cmpi sge, %scan3A_145, %ge3A_151 : i32
      %jit3A_153 = arith.constant 2048 : i32
      %jit3A_154 = arith.constant 0 : i32
      %select_n3A_155 = arith.select %ge3A_152, %jit3A_153, %jit3A_154 : i32
      %sub3A_156 = arith.subi %scan3A_145, %select_n3A_155 : i32
      %add3A_157 = arith.addi %scan3A_138, %select_n3A_155 : i32
      scf.yield %sub3A_156, %add3A_157 : i32, i32
    }
    %scan3A_67 = arith.constant 80 : i32
    %add3A_68 = arith.constant 128 : i32
    %add3A_69 = arith.addi %scan3A_66#0, %add3A_68 : i32
    %sub3A = arith.constant 1 : i32
    %sub3A_70 = arith.subi %add3A_69, %sub3A : i32
    %jit3A = arith.constant 128 : i32
    %div3A = arith.divsi %sub3A_70, %jit3A : i32
    %sign3A = arith.constant 0 : i32
    %sign3A_71 = arith.cmpi sgt, %sub3A_70, %sign3A : i32
    %sign3A_72 = arith.extui %sign3A_71 : i1 to i32
    %sign3A_73 = arith.constant 0 : i32
    %sign3A_74 = arith.cmpi slt, %sub3A_70, %sign3A_73 : i32
    %sign3A_75 = arith.extui %sign3A_74 : i1 to i32
    %sign3A_76 = arith.subi %sign3A_72, %sign3A_75 : i32
    %sign3A_77 = arith.constant 0 : i32
    %sign3A_78 = arith.cmpi sgt, %jit3A, %sign3A_77 : i32
    %sign3A_79 = arith.extui %sign3A_78 : i1 to i32
    %sign3A_80 = arith.constant 0 : i32
    %sign3A_81 = arith.cmpi slt, %jit3A, %sign3A_80 : i32
    %sign3A_82 = arith.extui %sign3A_81 : i1 to i32
    %sign3A_83 = arith.subi %sign3A_79, %sign3A_82 : i32
    %ne3A = arith.cmpi ne, %sign3A_76, %sign3A_83 : i32
    %rem3A = arith.remsi %sub3A_70, %jit3A : i32
    %ne3A_84 = arith.constant 0 : i32
    %ne3A_85 = arith.cmpi ne, %rem3A, %ne3A_84 : i32
    %and3A = arith.andi %ne3A, %ne3A_85 : i1
    %sub3A_86 = arith.constant 1 : i32
    %sub3A_87 = arith.subi %div3A, %sub3A_86 : i32
    %select_n3A = arith.select %and3A, %sub3A_87, %div3A : i32
    %mul3A_88 = arith.constant 128 : i32
    %mul3A_89 = arith.muli %select_n3A, %mul3A_88 : i32
    %sub3A_90 = arith.subi %mul3A_89, %scan3A_66#0 : i32
    %add3A_91 = arith.constant 15 : i32
    %add3A_92 = arith.addi %sub3A_90, %add3A_91 : i32
    %jit3A_93 = arith.constant 16 : i32
    %div3A_94 = arith.divsi %add3A_92, %jit3A_93 : i32
    %sign3A_95 = arith.constant 0 : i32
    %sign3A_96 = arith.cmpi sgt, %add3A_92, %sign3A_95 : i32
    %sign3A_97 = arith.extui %sign3A_96 : i1 to i32
    %sign3A_98 = arith.constant 0 : i32
    %sign3A_99 = arith.cmpi slt, %add3A_92, %sign3A_98 : i32
    %sign3A_100 = arith.extui %sign3A_99 : i1 to i32
    %sign3A_101 = arith.subi %sign3A_97, %sign3A_100 : i32
    %sign3A_102 = arith.constant 0 : i32
    %sign3A_103 = arith.cmpi sgt, %jit3A_93, %sign3A_102 : i32
    %sign3A_104 = arith.extui %sign3A_103 : i1 to i32
    %sign3A_105 = arith.constant 0 : i32
    %sign3A_106 = arith.cmpi slt, %jit3A_93, %sign3A_105 : i32
    %sign3A_107 = arith.extui %sign3A_106 : i1 to i32
    %sign3A_108 = arith.subi %sign3A_104, %sign3A_107 : i32
    %ne3A_109 = arith.cmpi ne, %sign3A_101, %sign3A_108 : i32
    %rem3A_110 = arith.remsi %add3A_92, %jit3A_93 : i32
    %ne3A_111 = arith.constant 0 : i32
    %ne3A_112 = arith.cmpi ne, %rem3A_110, %ne3A_111 : i32
    %and3A_113 = arith.andi %ne3A_109, %ne3A_112 : i1
    %sub3A_114 = arith.constant 1 : i32
    %sub3A_115 = arith.subi %div3A_94, %sub3A_114 : i32
    %select_n3A_116 = arith.select %and3A_113, %sub3A_115, %div3A_94 : i32
    %while3A = arith.constant 0 : i32
    %while3A_117 = arith.constant 0 : i32
    %while3A_118 = arith.subi %select_n3A_116, %while3A : i32
    %while3A_119 = arith.addi %while3A, %while3A_118 : i32
    %while3A_120 = arith.constant 1 : i32
    %while3A_121 = arith.divsi %while3A_118, %while3A_120 : i32
    %while3A_122 = arith.muli %while3A_121, %while3A_120 : i32
    %while3A_123 = arith.addi %while3A, %while3A_122 : i32
    %while3A_124 = arith.constant 1 : i32
    %while3A_125 = scf.for %while3A_136 = %while3A to %while3A_123 step %while3A_124 iter_args(%while3A_137 = %while3A_117) -> (i32)  : i32 {
      %mul3A_138 = arith.constant 16 : i32
      %mul3A_139 = arith.muli %while3A_136, %mul3A_138 : i32
      %add3A_140 = arith.addi %scan3A_66#0, %mul3A_139 : i32
      %swap3A_141 = arith.index_cast %add3A_140 : i32 to index
      %swap3A_142 = tpu.vector_load %arg9[%swap3A_141] {strides = array<i32>} : memref<4128xi32, #tpu.memory_space<vmem>>, vector<16xi32>,
      tpu.vector_store %arg9[%swap3A_141], %broadcast_in_dim3A_55 {strides = array<i32>} : memref<4128xi32, #tpu.memory_space<vmem>>, vector<16xi32>,
      %while3A_143 = arith.constant 0 : i32
      scf.yield %while3A_143 : i32
    }
    %while3A_126 = arith.constant 1 : i32
    %while3A_127 = scf.for %while3A_136 = %while3A_123 to %while3A_119 step %while3A_126 iter_args(%while3A_137 = %while3A_125) -> (i32)  : i32 {
      %mul3A_138 = arith.constant 16 : i32
      %mul3A_139 = arith.muli %while3A_136, %mul3A_138 : i32
      %add3A_140 = arith.addi %scan3A_66#0, %mul3A_139 : i32
      %swap3A_141 = arith.index_cast %add3A_140 : i32 to index
      %swap3A_142 = tpu.vector_load %arg9[%swap3A_141] {strides = array<i32>} : memref<4128xi32, #tpu.memory_space<vmem>>, vector<16xi32>,
      tpu.vector_store %arg9[%swap3A_141], %broadcast_in_dim3A_55 {strides = array<i32>} : memref<4128xi32, #tpu.memory_space<vmem>>, vector<16xi32>,
      %while3A_143 = arith.constant 0 : i32
      scf.yield %while3A_143 : i32
    }
    %gt3A = arith.constant 0 : i32
    %gt3A_128 = arith.cmpi sgt, %mul3A_89, %gt3A : i32
    %convert_element_type3A = arith.extui %gt3A_128 : i1 to i32
    %cond3A = arith.constant 0 : i32
    %cond3A_129 = arith.cmpi ne, %convert_element_type3A, %cond3A : i32
    scf.if %cond3A_129 {
      %sub3A_136 = arith.constant 0 : i32
      %sub3A_137 = arith.subi %mul3A_89, %sub3A_136 : i32
      %jit3A_138 = arith.constant 16 : i32
      %div3A_139 = arith.divsi %sub3A_137, %jit3A_138 : i32
      %sign3A_140 = arith.constant 0 : i32
      %sign3A_141 = arith.cmpi sgt, %sub3A_137, %sign3A_140 : i32
      %sign3A_142 = arith.extui %sign3A_141 : i1 to i32
      %sign3A_143 = arith.constant 0 : i32
      %sign3A_144 = arith.cmpi slt, %sub3A_137, %sign3A_143 : i32
      %sign3A_145 = arith.extui %sign3A_144 : i1 to i32
      %sign3A_146 = arith.subi %sign3A_142, %sign3A_145 : i32
      %sign3A_147 = arith.constant 0 : i32
      %sign3A_148 = arith.cmpi sgt, %jit3A_138, %sign3A_147 : i32
      %sign3A_149 = arith.extui %sign3A_148 : i1 to i32
      %sign3A_150 = arith.constant 0 : i32
      %sign3A_151 = arith.cmpi slt, %jit3A_138, %sign3A_150 : i32
      %sign3A_152 = arith.extui %sign3A_151 : i1 to i32
      %sign3A_153 = arith.subi %sign3A_149, %sign3A_152 : i32
      %ne3A_154 = arith.cmpi ne, %sign3A_146, %sign3A_153 : i32
      %rem3A_155 = arith.remsi %sub3A_137, %jit3A_138 : i32
      %ne3A_156 = arith.constant 0 : i32
      %ne3A_157 = arith.cmpi ne, %rem3A_155, %ne3A_156 : i32
      %and3A_158 = arith.andi %ne3A_154, %ne3A_157 : i1
      %sub3A_159 = arith.constant 1 : i32
      %sub3A_160 = arith.subi %div3A_139, %sub3A_159 : i32
      %select_n3A_161 = arith.select %and3A_158, %sub3A_160, %div3A_139 : i32
      %while3A_162 = arith.constant 0 : i32
      %while3A_163 = arith.constant 0 : i32
      %while3A_164 = arith.subi %select_n3A_161, %while3A_162 : i32
      %while3A_165 = arith.addi %while3A_162, %while3A_164 : i32
      %while3A_166 = arith.constant 1 : i32
      %while3A_167 = arith.divsi %while3A_164, %while3A_166 : i32
      %while3A_168 = arith.muli %while3A_167, %while3A_166 : i32
      %while3A_169 = arith.addi %while3A_162, %while3A_168 : i32
      %while3A_170 = arith.constant 1 : i32
      %while3A_171 = scf.for %while3A_176 = %while3A_162 to %while3A_169 step %while3A_170 iter_args(%while3A_177 = %while3A_163) -> (i32)  : i32 {
        %mul3A_178 = arith.constant 16 : i32
        %mul3A_179 = arith.muli %while3A_176, %mul3A_178 : i32
        %add3A_180 = arith.constant 0 : i32
        %add3A_181 = arith.addi %add3A_180, %mul3A_179 : i32
        %get3A = arith.index_cast %add3A_181 : i32 to index
        %get3A_182 = tpu.vector_load %arg9[%get3A] {strides = array<i32>} : memref<4128xi32, #tpu.memory_space<vmem>>, vector<16xi32>,
        %shift_right_arithmetic3A = arith.constant 14 : i32
        %shift_right_arithmetic3A_183 = vector.broadcast %shift_right_arithmetic3A : i32 to vector<16xi32>
        %shift_right_arithmetic3A_184 = arith.shrsi %get3A_182, %shift_right_arithmetic3A_183 : vector<16xi32>
        %lt3A = arith.constant 320 : i32
        %lt3A_185 = vector.broadcast %lt3A : i32 to vector<16xi32>
        %lt3A_186 = arith.cmpi slt, %shift_right_arithmetic3A_184, %lt3A_185 : vector<16xi32>
        %and3A_187 = arith.andi %eq3A_7, %lt3A_186 : vector<16xi1>
        tpu.vector_store_idx %arg11[%shift_right_arithmetic3A_184], %broadcast_in_dim3A_53 masked %and3A_187 {add = true} : memref<336xf32, #tpu.memory_space<vmem>>[vector<16xi32>], vector<16xf32>, vector<16xi1>
        %lt3A_188 = arith.constant 320 : i32
        %lt3A_189 = vector.broadcast %lt3A_188 : i32 to vector<16xi32>
        %lt3A_190 = arith.cmpi slt, %shift_right_arithmetic3A_184, %lt3A_189 : vector<16xi32>
        %and3A_191 = arith.andi %eq3A_10, %lt3A_190 : vector<16xi1>
        tpu.vector_store_idx %arg11[%shift_right_arithmetic3A_184], %broadcast_in_dim3A_53 masked %and3A_191 {add = true} : memref<336xf32, #tpu.memory_space<vmem>>[vector<16xi32>], vector<16xf32>, vector<16xi1>
        %lt3A_192 = arith.constant 320 : i32
        %lt3A_193 = vector.broadcast %lt3A_192 : i32 to vector<16xi32>
        %lt3A_194 = arith.cmpi slt, %shift_right_arithmetic3A_184, %lt3A_193 : vector<16xi32>
        %and3A_195 = arith.andi %eq3A_13, %lt3A_194 : vector<16xi1>
        tpu.vector_store_idx %arg11[%shift_right_arithmetic3A_184], %broadcast_in_dim3A_53 masked %and3A_195 {add = true} : memref<336xf32, #tpu.memory_space<vmem>>[vector<16xi32>], vector<16xf32>, vector<16xi1>
        %lt3A_196 = arith.constant 320 : i32
        %lt3A_197 = vector.broadcast %lt3A_196 : i32 to vector<16xi32>
        %lt3A_198 = arith.cmpi slt, %shift_right_arithmetic3A_184, %lt3A_197 : vector<16xi32>
        %and3A_199 = arith.andi %eq3A_16, %lt3A_198 : vector<16xi1>
        tpu.vector_store_idx %arg11[%shift_right_arithmetic3A_184], %broadcast_in_dim3A_53 masked %and3A_199 {add = true} : memref<336xf32, #tpu.memory_space<vmem>>[vector<16xi32>], vector<16xf32>, vector<16xi1>
        %lt3A_200 = arith.constant 320 : i32
        %lt3A_201 = vector.broadcast %lt3A_200 : i32 to vector<16xi32>
        %lt3A_202 = arith.cmpi slt, %shift_right_arithmetic3A_184, %lt3A_201 : vector<16xi32>
        %and3A_203 = arith.andi %eq3A_19, %lt3A_202 : vector<16xi1>
        tpu.vector_store_idx %arg11[%shift_right_arithmetic3A_184], %broadcast_in_dim3A_53 masked %and3A_203 {add = true} : memref<336xf32, #tpu.memory_space<vmem>>[vector<16xi32>], vector<16xf32>, vector<16xi1>
        %lt3A_204 = arith.constant 320 : i32
        %lt3A_205 = vector.broadcast %lt3A_204 : i32 to vector<16xi32>
        %lt3A_206 = arith.cmpi slt, %shift_right_arithmetic3A_184, %lt3A_205 : vector<16xi32>
        %and3A_207 = arith.andi %eq3A_22, %lt3A_206 : vector<16xi1>
        tpu.vector_store_idx %arg11[%shift_right_arithmetic3A_184], %broadcast_in_dim3A_53 masked %and3A_207 {add = true} : memref<336xf32, #tpu.memory_space<vmem>>[vector<16xi32>], vector<16xf32>, vector<16xi1>
        %lt3A_208 = arith.constant 320 : i32
        %lt3A_209 = vector.broadcast %lt3A_208 : i32 to vector<16xi32>
        %lt3A_210 = arith.cmpi slt, %shift_right_arithmetic3A_184, %lt3A_209 : vector<16xi32>
        %and3A_211 = arith.andi %eq3A_25, %lt3A_210 : vector<16xi1>
        tpu.vector_store_idx %arg11[%shift_right_arithmetic3A_184], %broadcast_in_dim3A_53 masked %and3A_211 {add = true} : memref<336xf32, #tpu.memory_space<vmem>>[vector<16xi32>], vector<16xf32>, vector<16xi1>
        %lt3A_212 = arith.constant 320 : i32
        %lt3A_213 = vector.broadcast %lt3A_212 : i32 to vector<16xi32>
        %lt3A_214 = arith.cmpi slt, %shift_right_arithmetic3A_184, %lt3A_213 : vector<16xi32>
        %and3A_215 = arith.andi %eq3A_28, %lt3A_214 : vector<16xi1>
        tpu.vector_store_idx %arg11[%shift_right_arithmetic3A_184], %broadcast_in_dim3A_53 masked %and3A_215 {add = true} : memref<336xf32, #tpu.memory_space<vmem>>[vector<16xi32>], vector<16xf32>, vector<16xi1>
        %lt3A_216 = arith.constant 320 : i32
        %lt3A_217 = vector.broadcast %lt3A_216 : i32 to vector<16xi32>
        %lt3A_218 = arith.cmpi slt, %shift_right_arithmetic3A_184, %lt3A_217 : vector<16xi32>
        %and3A_219 = arith.andi %eq3A_31, %lt3A_218 : vector<16xi1>
        tpu.vector_store_idx %arg11[%shift_right_arithmetic3A_184], %broadcast_in_dim3A_53 masked %and3A_219 {add = true} : memref<336xf32, #tpu.memory_space<vmem>>[vector<16xi32>], vector<16xf32>, vector<16xi1>
        %lt3A_220 = arith.constant 320 : i32
        %lt3A_221 = vector.broadcast %lt3A_220 : i32 to vector<16xi32>
        %lt3A_222 = arith.cmpi slt, %shift_right_arithmetic3A_184, %lt3A_221 : vector<16xi32>
        %and3A_223 = arith.andi %eq3A_34, %lt3A_222 : vector<16xi1>
        tpu.vector_store_idx %arg11[%shift_right_arithmetic3A_184], %broadcast_in_dim3A_53 masked %and3A_223 {add = true} : memref<336xf32, #tpu.memory_space<vmem>>[vector<16xi32>], vector<16xf32>, vector<16xi1>
        %lt3A_224 = arith.constant 320 : i32
        %lt3A_225 = vector.broadcast %lt3A_224 : i32 to vector<16xi32>
        %lt3A_226 = arith.cmpi slt, %shift_right_arithmetic3A_184, %lt3A_225 : vector<16xi32>
        %and3A_227 = arith.andi %eq3A_37, %lt3A_226 : vector<16xi1>
        tpu.vector_store_idx %arg11[%shift_right_arithmetic3A_184], %broadcast_in_dim3A_53 masked %and3A_227 {add = true} : memref<336xf32, #tpu.memory_space<vmem>>[vector<16xi32>], vector<16xf32>, vector<16xi1>
        %lt3A_228 = arith.constant 320 : i32
        %lt3A_229 = vector.broadcast %lt3A_228 : i32 to vector<16xi32>
        %lt3A_230 = arith.cmpi slt, %shift_right_arithmetic3A_184, %lt3A_229 : vector<16xi32>
        %and3A_231 = arith.andi %eq3A_40, %lt3A_230 : vector<16xi1>
        tpu.vector_store_idx %arg11[%shift_right_arithmetic3A_184], %broadcast_in_dim3A_53 masked %and3A_231 {add = true} : memref<336xf32, #tpu.memory_space<vmem>>[vector<16xi32>], vector<16xf32>, vector<16xi1>
        %lt3A_232 = arith.constant 320 : i32
        %lt3A_233 = vector.broadcast %lt3A_232 : i32 to vector<16xi32>
        %lt3A_234 = arith.cmpi slt, %shift_right_arithmetic3A_184, %lt3A_233 : vector<16xi32>
        %and3A_235 = arith.andi %eq3A_43, %lt3A_234 : vector<16xi1>
        tpu.vector_store_idx %arg11[%shift_right_arithmetic3A_184], %broadcast_in_dim3A_53 masked %and3A_235 {add = true} : memref<336xf32, #tpu.memory_space<vmem>>[vector<16xi32>], vector<16xf32>, vector<16xi1>
        %lt3A_236 = arith.constant 320 : i32
        %lt3A_237 = vector.broadcast %lt3A_236 : i32 to vector<16xi32>
        %lt3A_238 = arith.cmpi slt, %shift_right_arithmetic3A_184, %lt3A_237 : vector<16xi32>
        %and3A_239 = arith.andi %eq3A_46, %lt3A_238 : vector<16xi1>
        tpu.vector_store_idx %arg11[%shift_right_arithmetic3A_184], %broadcast_in_dim3A_53 masked %and3A_239 {add = true} : memref<336xf32, #tpu.memory_space<vmem>>[vector<16xi32>], vector<16xf32>, vector<16xi1>
        %lt3A_240 = arith.constant 320 : i32
        %lt3A_241 = vector.broadcast %lt3A_240 : i32 to vector<16xi32>
        %lt3A_242 = arith.cmpi slt, %shift_right_arithmetic3A_184, %lt3A_241 : vector<16xi32>
        %and3A_243 = arith.andi %eq3A_49, %lt3A_242 : vector<16xi1>
        tpu.vector_store_idx %arg11[%shift_right_arithmetic3A_184], %broadcast_in_dim3A_53 masked %and3A_243 {add = true} : memref<336xf32, #tpu.memory_space<vmem>>[vector<16xi32>], vector<16xf32>, vector<16xi1>
        %lt3A_244 = arith.constant 320 : i32
        %lt3A_245 = vector.broadcast %lt3A_244 : i32 to vector<16xi32>
        %lt3A_246 = arith.cmpi slt, %shift_right_arithmetic3A_184, %lt3A_245 : vector<16xi32>
        %and3A_247 = arith.andi %eq3A_52, %lt3A_246 : vector<16xi1>
        tpu.vector_store_idx %arg11[%shift_right_arithmetic3A_184], %broadcast_in_dim3A_53 masked %and3A_247 {add = true} : memref<336xf32, #tpu.memory_space<vmem>>[vector<16xi32>], vector<16xf32>, vector<16xi1>
        %while3A_248 = arith.constant 0 : i32
        scf.yield %while3A_248 : i32
      }
      %while3A_172 = arith.constant 1 : i32
      %while3A_173 = scf.for %while3A_176 = %while3A_169 to %while3A_165 step %while3A_172 iter_args(%while3A_177 = %while3A_171) -> (i32)  : i32 {
        %mul3A_178 = arith.constant 16 : i32
        %mul3A_179 = arith.muli %while3A_176, %mul3A_178 : i32
        %add3A_180 = arith.constant 0 : i32
        %add3A_181 = arith.addi %add3A_180, %mul3A_179 : i32
        %get3A = arith.index_cast %add3A_181 : i32 to index
        %get3A_182 = tpu.vector_load %arg9[%get3A] {strides = array<i32>} : memref<4128xi32, #tpu.memory_space<vmem>>, vector<16xi32>,
        %shift_right_arithmetic3A = arith.constant 14 : i32
        %shift_right_arithmetic3A_183 = vector.broadcast %shift_right_arithmetic3A : i32 to vector<16xi32>
        %shift_right_arithmetic3A_184 = arith.shrsi %get3A_182, %shift_right_arithmetic3A_183 : vector<16xi32>
        %lt3A = arith.constant 320 : i32
        %lt3A_185 = vector.broadcast %lt3A : i32 to vector<16xi32>
        %lt3A_186 = arith.cmpi slt, %shift_right_arithmetic3A_184, %lt3A_185 : vector<16xi32>
        %and3A_187 = arith.andi %eq3A_7, %lt3A_186 : vector<16xi1>
        tpu.vector_store_idx %arg11[%shift_right_arithmetic3A_184], %broadcast_in_dim3A_53 masked %and3A_187 {add = true} : memref<336xf32, #tpu.memory_space<vmem>>[vector<16xi32>], vector<16xf32>, vector<16xi1>
        %lt3A_188 = arith.constant 320 : i32
        %lt3A_189 = vector.broadcast %lt3A_188 : i32 to vector<16xi32>
        %lt3A_190 = arith.cmpi slt, %shift_right_arithmetic3A_184, %lt3A_189 : vector<16xi32>
        %and3A_191 = arith.andi %eq3A_10, %lt3A_190 : vector<16xi1>
        tpu.vector_store_idx %arg11[%shift_right_arithmetic3A_184], %broadcast_in_dim3A_53 masked %and3A_191 {add = true} : memref<336xf32, #tpu.memory_space<vmem>>[vector<16xi32>], vector<16xf32>, vector<16xi1>
        %lt3A_192 = arith.constant 320 : i32
        %lt3A_193 = vector.broadcast %lt3A_192 : i32 to vector<16xi32>
        %lt3A_194 = arith.cmpi slt, %shift_right_arithmetic3A_184, %lt3A_193 : vector<16xi32>
        %and3A_195 = arith.andi %eq3A_13, %lt3A_194 : vector<16xi1>
        tpu.vector_store_idx %arg11[%shift_right_arithmetic3A_184], %broadcast_in_dim3A_53 masked %and3A_195 {add = true} : memref<336xf32, #tpu.memory_space<vmem>>[vector<16xi32>], vector<16xf32>, vector<16xi1>
        %lt3A_196 = arith.constant 320 : i32
        %lt3A_197 = vector.broadcast %lt3A_196 : i32 to vector<16xi32>
        %lt3A_198 = arith.cmpi slt, %shift_right_arithmetic3A_184, %lt3A_197 : vector<16xi32>
        %and3A_199 = arith.andi %eq3A_16, %lt3A_198 : vector<16xi1>
        tpu.vector_store_idx %arg11[%shift_right_arithmetic3A_184], %broadcast_in_dim3A_53 masked %and3A_199 {add = true} : memref<336xf32, #tpu.memory_space<vmem>>[vector<16xi32>], vector<16xf32>, vector<16xi1>
        %lt3A_200 = arith.constant 320 : i32
        %lt3A_201 = vector.broadcast %lt3A_200 : i32 to vector<16xi32>
        %lt3A_202 = arith.cmpi slt, %shift_right_arithmetic3A_184, %lt3A_201 : vector<16xi32>
        %and3A_203 = arith.andi %eq3A_19, %lt3A_202 : vector<16xi1>
        tpu.vector_store_idx %arg11[%shift_right_arithmetic3A_184], %broadcast_in_dim3A_53 masked %and3A_203 {add = true} : memref<336xf32, #tpu.memory_space<vmem>>[vector<16xi32>], vector<16xf32>, vector<16xi1>
        %lt3A_204 = arith.constant 320 : i32
        %lt3A_205 = vector.broadcast %lt3A_204 : i32 to vector<16xi32>
        %lt3A_206 = arith.cmpi slt, %shift_right_arithmetic3A_184, %lt3A_205 : vector<16xi32>
        %and3A_207 = arith.andi %eq3A_22, %lt3A_206 : vector<16xi1>
        tpu.vector_store_idx %arg11[%shift_right_arithmetic3A_184], %broadcast_in_dim3A_53 masked %and3A_207 {add = true} : memref<336xf32, #tpu.memory_space<vmem>>[vector<16xi32>], vector<16xf32>, vector<16xi1>
        %lt3A_208 = arith.constant 320 : i32
        %lt3A_209 = vector.broadcast %lt3A_208 : i32 to vector<16xi32>
        %lt3A_210 = arith.cmpi slt, %shift_right_arithmetic3A_184, %lt3A_209 : vector<16xi32>
        %and3A_211 = arith.andi %eq3A_25, %lt3A_210 : vector<16xi1>
        tpu.vector_store_idx %arg11[%shift_right_arithmetic3A_184], %broadcast_in_dim3A_53 masked %and3A_211 {add = true} : memref<336xf32, #tpu.memory_space<vmem>>[vector<16xi32>], vector<16xf32>, vector<16xi1>
        %lt3A_212 = arith.constant 320 : i32
        %lt3A_213 = vector.broadcast %lt3A_212 : i32 to vector<16xi32>
        %lt3A_214 = arith.cmpi slt, %shift_right_arithmetic3A_184, %lt3A_213 : vector<16xi32>
        %and3A_215 = arith.andi %eq3A_28, %lt3A_214 : vector<16xi1>
        tpu.vector_store_idx %arg11[%shift_right_arithmetic3A_184], %broadcast_in_dim3A_53 masked %and3A_215 {add = true} : memref<336xf32, #tpu.memory_space<vmem>>[vector<16xi32>], vector<16xf32>, vector<16xi1>
        %lt3A_216 = arith.constant 320 : i32
        %lt3A_217 = vector.broadcast %lt3A_216 : i32 to vector<16xi32>
        %lt3A_218 = arith.cmpi slt, %shift_right_arithmetic3A_184, %lt3A_217 : vector<16xi32>
        %and3A_219 = arith.andi %eq3A_31, %lt3A_218 : vector<16xi1>
        tpu.vector_store_idx %arg11[%shift_right_arithmetic3A_184], %broadcast_in_dim3A_53 masked %and3A_219 {add = true} : memref<336xf32, #tpu.memory_space<vmem>>[vector<16xi32>], vector<16xf32>, vector<16xi1>
        %lt3A_220 = arith.constant 320 : i32
        %lt3A_221 = vector.broadcast %lt3A_220 : i32 to vector<16xi32>
        %lt3A_222 = arith.cmpi slt, %shift_right_arithmetic3A_184, %lt3A_221 : vector<16xi32>
        %and3A_223 = arith.andi %eq3A_34, %lt3A_222 : vector<16xi1>
        tpu.vector_store_idx %arg11[%shift_right_arithmetic3A_184], %broadcast_in_dim3A_53 masked %and3A_223 {add = true} : memref<336xf32, #tpu.memory_space<vmem>>[vector<16xi32>], vector<16xf32>, vector<16xi1>
        %lt3A_224 = arith.constant 320 : i32
        %lt3A_225 = vector.broadcast %lt3A_224 : i32 to vector<16xi32>
        %lt3A_226 = arith.cmpi slt, %shift_right_arithmetic3A_184, %lt3A_225 : vector<16xi32>
        %and3A_227 = arith.andi %eq3A_37, %lt3A_226 : vector<16xi1>
        tpu.vector_store_idx %arg11[%shift_right_arithmetic3A_184], %broadcast_in_dim3A_53 masked %and3A_227 {add = true} : memref<336xf32, #tpu.memory_space<vmem>>[vector<16xi32>], vector<16xf32>, vector<16xi1>
        %lt3A_228 = arith.constant 320 : i32
        %lt3A_229 = vector.broadcast %lt3A_228 : i32 to vector<16xi32>
        %lt3A_230 = arith.cmpi slt, %shift_right_arithmetic3A_184, %lt3A_229 : vector<16xi32>
        %and3A_231 = arith.andi %eq3A_40, %lt3A_230 : vector<16xi1>
        tpu.vector_store_idx %arg11[%shift_right_arithmetic3A_184], %broadcast_in_dim3A_53 masked %and3A_231 {add = true} : memref<336xf32, #tpu.memory_space<vmem>>[vector<16xi32>], vector<16xf32>, vector<16xi1>
        %lt3A_232 = arith.constant 320 : i32
        %lt3A_233 = vector.broadcast %lt3A_232 : i32 to vector<16xi32>
        %lt3A_234 = arith.cmpi slt, %shift_right_arithmetic3A_184, %lt3A_233 : vector<16xi32>
        %and3A_235 = arith.andi %eq3A_43, %lt3A_234 : vector<16xi1>
        tpu.vector_store_idx %arg11[%shift_right_arithmetic3A_184], %broadcast_in_dim3A_53 masked %and3A_235 {add = true} : memref<336xf32, #tpu.memory_space<vmem>>[vector<16xi32>], vector<16xf32>, vector<16xi1>
        %lt3A_236 = arith.constant 320 : i32
        %lt3A_237 = vector.broadcast %lt3A_236 : i32 to vector<16xi32>
        %lt3A_238 = arith.cmpi slt, %shift_right_arithmetic3A_184, %lt3A_237 : vector<16xi32>
        %and3A_239 = arith.andi %eq3A_46, %lt3A_238 : vector<16xi1>
        tpu.vector_store_idx %arg11[%shift_right_arithmetic3A_184], %broadcast_in_dim3A_53 masked %and3A_239 {add = true} : memref<336xf32, #tpu.memory_space<vmem>>[vector<16xi32>], vector<16xf32>, vector<16xi1>
        %lt3A_240 = arith.constant 320 : i32
        %lt3A_241 = vector.broadcast %lt3A_240 : i32 to vector<16xi32>
        %lt3A_242 = arith.cmpi slt, %shift_right_arithmetic3A_184, %lt3A_241 : vector<16xi32>
        %and3A_243 = arith.andi %eq3A_49, %lt3A_242 : vector<16xi1>
        tpu.vector_store_idx %arg11[%shift_right_arithmetic3A_184], %broadcast_in_dim3A_53 masked %and3A_243 {add = true} : memref<336xf32, #tpu.memory_space<vmem>>[vector<16xi32>], vector<16xf32>, vector<16xi1>
        %lt3A_244 = arith.constant 320 : i32
        %lt3A_245 = vector.broadcast %lt3A_244 : i32 to vector<16xi32>
        %lt3A_246 = arith.cmpi slt, %shift_right_arithmetic3A_184, %lt3A_245 : vector<16xi32>
        %and3A_247 = arith.andi %eq3A_52, %lt3A_246 : vector<16xi1>
        tpu.vector_store_idx %arg11[%shift_right_arithmetic3A_184], %broadcast_in_dim3A_53 masked %and3A_247 {add = true} : memref<336xf32, #tpu.memory_space<vmem>>[vector<16xi32>], vector<16xf32>, vector<16xi1>
        %while3A_248 = arith.constant 0 : i32
        scf.yield %while3A_248 : i32
      }
      %add3A_174 = arith.addi %multiple_of3A_5, %scan3A_66#1 : i32
      %multiple_of3A_175 = tpu.assume_multiple %add3A_174, 8 : i32
      "tpu.region"() ({
        %run_scoped3A = tpu.sem_alloc : memref<!tpu.dma_semaphore, #tpu.memory_space<semaphore_mem>>
        %dma_start3A = arith.constant 0 : i32
        %dma_start3A_176 = tpu.memref_slice %arg9[%dma_start3A] : memref<4128xi32, #tpu.memory_space<vmem>> -> memref<2048xi32, #tpu.memory_space<vmem>>
        %dma_start3A_177 = tpu.memref_slice %arg4[%multiple_of3A_175] : memref<5185536xi32, #tpu.memory_space<hbm>> -> memref<2048xi32, #tpu.memory_space<hbm>>
        %dma_start3A_178 = tpu.memref_slice %arg4[%multiple_of3A_175] : memref<5185536xi32, #tpu.memory_space<hbm>> -> memref<2048xi32, #tpu.memory_space<hbm>>
        %dma_start3A_179 = arith.constant 0 : i32
        %dma_start3A_180 = tpu.memref_slice %arg9[%dma_start3A_179] : memref<4128xi32, #tpu.memory_space<vmem>> -> memref<2048xi32, #tpu.memory_space<vmem>>
        tpu.enqueue_dma source(%dma_start3A_180 : memref<2048xi32, #tpu.memory_space<vmem>>) target(%dma_start3A_178 : memref<2048xi32, #tpu.memory_space<hbm>>) target_semaphore(%run_scoped3A : memref<!tpu.dma_semaphore, #tpu.memory_space<semaphore_mem>>)
        %dma_wait3A = arith.constant 0 : i32
        %dma_wait3A_181 = tpu.memref_slice %arg9[%dma_wait3A] : memref<4128xi32, #tpu.memory_space<vmem>> -> memref<2048xi32, #tpu.memory_space<vmem>>
        %dma_wait3A_182 = tpu.memref_slice %arg4[%multiple_of3A_175] : memref<5185536xi32, #tpu.memory_space<hbm>> -> memref<2048xi32, #tpu.memory_space<hbm>>
        %dma_wait3A_183 = tpu.memref_slice %arg4[%multiple_of3A_175] : memref<5185536xi32, #tpu.memory_space<hbm>> -> memref<2048xi32, #tpu.memory_space<hbm>>
        %dma_wait3A_184 = arith.constant 0 : i32
        %dma_wait3A_185 = tpu.memref_slice %arg9[%dma_wait3A_184] : memref<4128xi32, #tpu.memory_space<vmem>> -> memref<2048xi32, #tpu.memory_space<vmem>>
        tpu.wait_dma2 semaphore(%run_scoped3A : memref<!tpu.dma_semaphore, #tpu.memory_space<semaphore_mem>>) src(%dma_wait3A_185 : memref<2048xi32, #tpu.memory_space<vmem>>) dst(%dma_wait3A_183 : memref<2048xi32, #tpu.memory_space<hbm>>)
        tpu.yield
      }) : () -> ()
    } else {
    }
    %add3A_130 = arith.addi %scan3A_66#1, %mul3A_89 : i32
    %broadcast_in_dim3A_131 = vector.broadcast %add3A_130 : i32 to vector<16xi32>
    %swap3A = arith.constant 0 : index
    %swap3A_132 = tpu.vector_load %arg10[%swap3A] {strides = array<i32>} : memref<16xi32, #tpu.memory_space<vmem>>, vector<16xi32>,
    tpu.vector_store %arg10[%swap3A], %broadcast_in_dim3A_131 {strides = array<i32>} : memref<16xi32, #tpu.memory_space<vmem>>, vector<16xi32>,
    %mul3A_133 = arith.constant 16 : i32
    %mul3A_134 = arith.muli %add3A, %mul3A_133 : i32
    %multiple_of3A_135 = tpu.assume_multiple %mul3A_134, 8 : i32
    "tpu.region"() ({
      %run_scoped3A = tpu.sem_alloc : memref<!tpu.dma_semaphore, #tpu.memory_space<semaphore_mem>>
      %dma_start3A = tpu.memref_slice %arg5[%multiple_of3A_135] : memref<512xi32, #tpu.memory_space<hbm>> -> memref<16xi32, #tpu.memory_space<hbm>>
      %dma_start3A_136 = tpu.memref_slice %arg5[%multiple_of3A_135] : memref<512xi32, #tpu.memory_space<hbm>> -> memref<16xi32, #tpu.memory_space<hbm>>
      tpu.enqueue_dma source(%arg10 : memref<16xi32, #tpu.memory_space<vmem>>) target(%dma_start3A_136 : memref<16xi32, #tpu.memory_space<hbm>>) target_semaphore(%run_scoped3A : memref<!tpu.dma_semaphore, #tpu.memory_space<semaphore_mem>>)
      %dma_wait3A = tpu.memref_slice %arg5[%multiple_of3A_135] : memref<512xi32, #tpu.memory_space<hbm>> -> memref<16xi32, #tpu.memory_space<hbm>>
      %dma_wait3A_137 = tpu.memref_slice %arg5[%multiple_of3A_135] : memref<512xi32, #tpu.memory_space<hbm>> -> memref<16xi32, #tpu.memory_space<hbm>>
      tpu.wait_dma2 semaphore(%run_scoped3A : memref<!tpu.dma_semaphore, #tpu.memory_space<semaphore_mem>>) src(%arg10 : memref<16xi32, #tpu.memory_space<vmem>>) dst(%dma_wait3A_137 : memref<16xi32, #tpu.memory_space<hbm>>)
      tpu.yield
    }) : () -> ()
    "tpu.region"() ({
      %run_scoped3A = tpu.sem_alloc : memref<!tpu.dma_semaphore, #tpu.memory_space<semaphore_mem>>
      %dma_start3A = arith.constant 0 : i32
      %dma_start3A_136 = tpu.memref_slice %arg11[%dma_start3A] : memref<336xf32, #tpu.memory_space<vmem>> -> memref<320xf32, #tpu.memory_space<vmem>>
      %dma_start3A_137 = tpu.memref_slice %arg6[%multiple_of3A] : memref<10240xf32, #tpu.memory_space<hbm>> -> memref<320xf32, #tpu.memory_space<hbm>>
      %dma_start3A_138 = tpu.memref_slice %arg6[%multiple_of3A] : memref<10240xf32, #tpu.memory_space<hbm>> -> memref<320xf32, #tpu.memory_space<hbm>>
      %dma_start3A_139 = arith.constant 0 : i32
      %dma_start3A_140 = tpu.memref_slice %arg11[%dma_start3A_139] : memref<336xf32, #tpu.memory_space<vmem>> -> memref<320xf32, #tpu.memory_space<vmem>>
      tpu.enqueue_dma source(%dma_start3A_140 : memref<320xf32, #tpu.memory_space<vmem>>) target(%dma_start3A_138 : memref<320xf32, #tpu.memory_space<hbm>>) target_semaphore(%run_scoped3A : memref<!tpu.dma_semaphore, #tpu.memory_space<semaphore_mem>>)
      %dma_wait3A = arith.constant 0 : i32
      %dma_wait3A_141 = tpu.memref_slice %arg11[%dma_wait3A] : memref<336xf32, #tpu.memory_space<vmem>> -> memref<320xf32, #tpu.memory_space<vmem>>
      %dma_wait3A_142 = tpu.memref_slice %arg6[%multiple_of3A] : memref<10240xf32, #tpu.memory_space<hbm>> -> memref<320xf32, #tpu.memory_space<hbm>>
      %dma_wait3A_143 = tpu.memref_slice %arg6[%multiple_of3A] : memref<10240xf32, #tpu.memory_space<hbm>> -> memref<320xf32, #tpu.memory_space<hbm>>
      %dma_wait3A_144 = arith.constant 0 : i32
      %dma_wait3A_145 = tpu.memref_slice %arg11[%dma_wait3A_144] : memref<336xf32, #tpu.memory_space<vmem>> -> memref<320xf32, #tpu.memory_space<vmem>>
      tpu.wait_dma2 semaphore(%run_scoped3A : memref<!tpu.dma_semaphore, #tpu.memory_space<semaphore_mem>>) src(%dma_wait3A_145 : memref<320xf32, #tpu.memory_space<vmem>>) dst(%dma_wait3A_143 : memref<320xf32, #tpu.memory_space<hbm>>)
      tpu.yield
    }) : () -> ()
    return
  }
}

</mosaic_0001>

<sc_bundles>
// kernel: _sc_bucket.3.cloned.1.call-start
scs
__scs_entry_jumppad:
0x0: {  	(pc) =	sbr.rel $0x88, $3  }
0x1: {  	(tag) =	ssettag $0x0;
	lr =	simm.s32 $0x1  }
0x2: {  	[smem:$0x3F9F] =	sst lr;
	_ =	strace $0xD0000000  }
0x3: {  	_ = 	snop  }
0x4: {  	_ = 	snop  }
0x5: {  	_ = 	snop  }
0x6: {  	_ = 	snop  }
0x7: {  	_ = 	snop  }
__scs_overlays_trampoline_lowered:
0x8: {  	[smem:$0x3FAE] =	sst s0  }
0x9: {  	[smem:$0x3FAF] =	sst s1  }
0xa: {  	[smem:$0x3FB0] =	sst s2  }
0xb: {  	[smem:$0x3FB1] =	sst s3  }
0xc: {  	[smem:$0x3FB2] =	sst s4  }
0xd: {  	[smem:$0x3FB3] =	sst s5  }
0xe: {  	[smem:$0x3FB4] =	sst s6  }
0xf: {  	[smem:$0x3FB5] =	sst s7  }
0x10: {  	[smem:$0x3FB6] =	sst s8  }
0x11: {  	[smem:$0x3FB7] =	sst s9;
	s0 =	simm.s32 @!p0 $0x0  }
0x12: {  	s1 =	sld [smem:$0x3F9D];
	s0 =	simm.s32 @p0 $0x1  }
0x13: {  	[smem:$0x3FB8] =	sst s0;
	s0 =	simm.s32 @!p1 $0x0  }
0x14: {  	s2 =	sld [smem:$0x3F9C];
	s0 =	simm.s32 @p1 $0x1  }
0x15: {  	[smem:$0x3FB9] =	sst s0;
	s0 =	simm.s32 @!p2 $0x0  }
0x16: {  	s3 =	sld [smem:$0x3FDB];
	s0 =	simm.s32 @p2 $0x1  }
0x17: {  	s4 =	simm.s32 $0x1BF5;
	[smem:$0x3FBB] =	sst s0  }
0x18: {  	s0 =	sld [smem:$0x3F9E];
	_ =	swait.ge [sflag:s4], $0x0  }
0x19: {  	s7 =	sld [smem:$0x3F9F]  }
0x1a: {  	s8 =	sadd.s32 $0xFFFFE003, lr  }
0x1b: {  	s9 =	sadd.s32 $0xFFFFFEF7, lr;
	s5 =	simm.s32 $0xFFFFFFFF;
	p2 =	slt.u32 s8, $0xFFFFF086  }
0x1c: {  	p1 =	slt.u32 s9, $0xF7A;
	s5 =	simm.s32 @!p2 $0x0  }
0x1d: {  	s5 =	simm.s32 @p1 $0x1;
	p0 =	seq.s32 s7, s2  }
0x1e: {  	s7 =	smul.u32 @!p0 $0xF7A, s2;
	p2 =	seq.s32 @!p0 s5, $0x0  }
0x1f: {  	s9 =	smul.u32 $0xF7A, s1;
	s8 =	simm.s32 @!p0 $0x1BF5;
	p2 =	por !p2, p0  }
0x20: {  	[sflag:s8] =	ssyncset.s32 @!p0 $0xFFFFF086;
	s6 =	sadd.s32 @!p0 s3, s7;
	s7 =	simm.s32 @!p0 $0x108  }
0x21: {  	s3 =	sadd.s32 s3, s9;
	s6 =	sadd.s32 @!p0 $0x88, s6;
	s7 =	simm.s32 @p2 $0x1082  }
0x22: {  	[simem:s7], [sflag:s8] =	dma.local @!p0 [hbm:s6], $0xF7A  }
0x23: {  	s9 =	sor.u32 $0xD0000000, s2;
	s6 =	simm.s32 $0x108;
	_ =	swait.ge @!p0 [sflag:s8], $0x0  }
0x24: {  	s3 =	sadd.s32 $0x88, s3;
	s6 =	simm.s32 @!p1 $0x1082;
	[sflag:s4] =	ssyncset.s32 $0xFFFFF086  }
0x25: {  	[simem:s6], [sflag:s4] =	dma.local [hbm:s3], $0xF7A  }
0x26: {  	[smem:$0x3F9F] =	sst s1;
	(tag) =	ssettag s2;
	_ =	strace s9  }
0x27: {  	s1 =	sld [smem:$0x3FAF]  }
0x28: {  	s2 =	sld [smem:$0x3FB0]  }
0x29: {  	s4 =	sld [smem:$0x3FB2]  }
0x2a: {  	p0 =	seq.s32 s5, $0x0;
	s5 =	sld [smem:$0x3FB3]  }
0x2b: {  	s6 =	sld [smem:$0x3FB4]  }
0x2c: {  	s7 =	sld [smem:$0x3FB5]  }
0x2d: {  	s3 =	simm.s32 $0x108;
	s8 =	sld [smem:$0x3FB6]  }
0x2e: {  	s3 =	simm.s32 @!p0 $0x1082;
	s9 =	sld [smem:$0x3FB7]  }
0x2f: {  	lr =	sadd.s32 s0, s3;
	s0 =	sld [smem:$0x3FAE]  }
0x30: {  	s3 =	sld [smem:$0x3FB1]  }
0x31: {  	[smem:$0x3FBA] =	sst s10  }
0x32: {  	s10 =	sld [smem:$0x3FB8];
	_ =	sdelay $0x3  }
0x33: {  	p0 =	seq.s32 s10, $0x1;
	s10 =	sld [smem:$0x3FBA];
	_ =	sdelay $0x3  }
0x34: {  	[smem:$0x3FBA] =	sst s10  }
0x35: {  	s10 =	sld [smem:$0x3FB9];
	_ =	sdelay $0x3  }
0x36: {  	p1 =	seq.s32 s10, $0x1;
	s10 =	sld [smem:$0x3FBA];
	_ =	sdelay $0x3  }
0x37: {  	[smem:$0x3FBA] =	sst s10  }
0x38: {  	s10 =	sld [smem:$0x3FBB]  }
0x39: {  	_ = 	snop;
	(pc) =	sbr.ind lr, $3  }
0x3a: {  	_ = 	snop  }
0x3b: {  	_ = 	snop  }
0x3c: {  	p2 =	seq.s32 s10, $0x1;
	s10 =	sld [smem:$0x3FBA]  }
0x3d: {  	_ =	shalt  }
0x3e: {  	_ =	shalt  }
0x3f: {  	_ =	shalt  }
0x40: {  	_ =	shalt  }
0x41: {  	_ =	shalt  }
0x42: {  	_ =	shalt  }
0x43: {  	_ =	shalt  }
0x44: {  	_ =	shalt  }
0x45: {  	_ =	shalt  }
0x46: {  	_ =	shalt  }
0x47: {  	_ =	shalt  }
0x48: {  	_ =	shalt  }
0x49: {  	_ =	shalt  }
0x4a: {  	_ =	shalt  }
0x4b: {  	_ =	shalt  }
0x4c: {  	_ =	shalt  }
0x4d: {  	_ =	shalt  }
0x4e: {  	_ =	shalt  }
0x4f: {  	_ =	shalt  }
0x50: {  	_ =	shalt  }
0x51: {  	_ =	shalt  }
0x52: {  	_ =	shalt  }
0x53: {  	_ =	shalt  }
0x54: {  	_ =	shalt  }
0x55: {  	_ =	shalt  }
0x56: {  	_ =	shalt  }
0x57: {  	_ =	shalt  }
0x58: {  	_ =	shalt  }
0x59: {  	_ =	shalt  }
0x5a: {  	_ =	shalt  }
0x5b: {  	_ =	shalt  }
0x5c: {  	_ =	shalt  }
0x5d: {  	_ =	shalt  }
0x5e: {  	_ =	shalt  }
0x5f: {  	_ =	shalt  }
0x60: {  	_ =	shalt  }
0x61: {  	_ =	shalt  }
0x62: {  	_ =	shalt  }
0x63: {  	_ =	shalt  }
0x64: {  	_ =	shalt  }
0x65: {  	_ =	shalt  }
0x66: {  	_ =	shalt  }
0x67: {  	_ =	shalt  }
0x68: {  	_ =	shalt  }
0x69: {  	_ =	shalt  }
0x6a: {  	_ =	shalt  }
0x6b: {  	_ =	shalt  }
0x6c: {  	_ =	shalt  }
0x6d: {  	_ =	shalt  }
0x6e: {  	_ =	shalt  }
0x6f: {  	_ =	shalt  }
0x70: {  	_ =	shalt  }
0x71: {  	_ =	shalt  }
0x72: {  	_ =	shalt  }
0x73: {  	_ =	shalt  }
0x74: {  	_ =	shalt  }
0x75: {  	_ =	shalt  }
0x76: {  	_ =	shalt  }
0x77: {  	_ =	shalt  }
0x78: {  	_ =	shalt  }
0x79: {  	_ =	shalt  }
0x7a: {  	_ =	shalt  }
0x7b: {  	_ =	shalt  }
0x7c: {  	_ =	shalt  }
0x7d: {  	_ =	shalt  }
0x7e: {  	_ =	shalt  }
0x7f: {  	_ =	shalt  }
0x80: {  	_ =	shalt  }
0x81: {  	_ =	shalt  }
0x82: {  	_ =	shalt  }
0x83: {  	_ =	shalt  }
0x84: {  	_ =	shalt  }
0x85: {  	_ =	shalt  }
0x86: {  	_ =	shalt  }
0x87: {  	_ =	shalt  }
.Lfunc_end0:
.L_simem_size_0:
called_computation_lowered:
.L_overlay_start_0:
0x88: {  	s2 =	sld [smem:$0x3FD9]  }
0x89: {  	s3 =	sld [smem:$0x3FFE];
	_ =	sdelay $0x1  }
0x8a: {  	s1 =	srdreg.scid  }
0x8b: {  	s0 =	sand.u32 $0x1, s1  }
0x8c: {  	s15 =	sshll.u32 s0, $0xA;
	s2 =	sadd.s32 s3, s2  }
0x8d: {  	s2 =	sadd.s32 s2, s15  }
0x8e: {  	[smem:$0x3FC6] =	sst s2  }
0x8f: {  	_ = 	snop  }
0x90: {  	s2 =	sld [smem:$0x3FD0];
	_ =	sdelay $0x1  }
0x91: {  	s16 =	sld [smem:$0x3FC9]  }
0x92: {  	s5 =	simm.s32 $0xA;
	s6 =	simm.s32 $0x10;
	s4 =	sld [smem:$0x3FC8]  }
0x93: {  	[smem:s6], [sflag:s5] =	dma.local [hbm:s2], $0x1  }
0x94: {  	_ =	swait.eq [sflag:s5], $0x1  }
0x95: {  	s17 =	sld [smem:$0x10];
	[sflag:s5] =	ssyncset.done $0x0  }
0x96: {  	s18 =	sld [smem:$0x11];
	[sflag:s5] =	ssyncadd.s32 $0xFFFFFFFF  }
0x97: {  	s19 =	sld [smem:$0x12];
	(tm) =	ssettm $0x1  }
0x98: {  	s7 =	sld [smem:$0x3FFB];
	_ =	sdelay $0x3  }
0x99: {  	_ =	strace s7  }
0x9a: {  	s7 =	sld [smem:$0x3FFC];
	_ =	sdelay $0x3  }
0x9b: {  	_ =	strace s7  }
0x9c: {  	s7 =	sld [smem:$0x3FFD];
	_ =	sdelay $0x3  }
0x9d: {  	_ =	strace s7  }
0x9e: {  	_ =	strace $0x8FFFFFFF  }
0x9f: {  	s20 =	sld [smem:$0x3FDB];
	_ =	sdelay $0x1  }
0xa0: {  	s8 =	simm.s32 $_scs_section_size  }
0xa1: {  	s9 =	simm.s32 $_size__tile_overlayer_lowered;
	s10 =	simm.s32 $_tile_overlayer_lowered  }
0xa2: {  	s23 =	simm.s32 $0x1BFF;
	s22 =	sshll.u32 s10, $0x1;
	s7 =	sadd.s32 s8, s20  }
0xa3: {  	s11 =	simm.s32 $0x0;
	s21 =	sshll.u32 s9, $0x1;
	s9 =	sadd.s32 s22, s7  }
0xa4: {  	[timem:s11], [sflag:s23] =	dma.local [hbm:s9], s21  }
0xa5: {  	_ =	swait.ge [sflag:s23], s21  }
0xa6: {  	s8 =	ssub.s32 $0x0, s21;
	[sflag:s23] =	ssyncset.done $0x0  }
0xa7: {  	[sflag:s23] =	ssyncadd.s32 s8;
	_ =	sdelay $0x1  }
0xa8: {  	s24 =	simm.s32 $0x1B8B  }
0xa9: {  	_ =	swait.ge [sflag:s24], $0x1  }
0xaa: {  	[sflag:s24] =	ssyncset.done $0x0  }
0xab: {  	s25 =	simm.s32 $0x1B8E;
	[sflag:s24] =	ssyncadd.s32 $0xFFFFFFFF  }
0xac: {  	s26 =	simm.s32 $execute0_lowered;
	[smem:$0x3FD2] =	sst s25  }
0xad: {  	s8 =	sshll.u32 s26, $0x1;
	_ =	strace $0x80000046;
	[dreg:$0x1] =	wrdreg $0xFFFFFFFF  }
0xae: {  	s28 =	simm.s32 $_size_execute0_lowered;
	s7 =	sadd.s32 s7, s8;
	[dreg:$0x0] =	wrdreg $0x0  }
0xaf: {  	s8 =	sshll.u32 s28, $0x1;
	[dreg:$0x2] =	wrdreg s7  }
0xb0: {  	[dreg:$0x3] =	wrdreg s8  }
0xb1: {  	[dreg:$0x4] =	wrdreg $0xC0  }
0xb2: {  	_ =	task [dreg:s11], $0x5FFFF  }
0xb3: {  	[dreg:$0x1] =	wrdreg $0xFFFFFFFF  }
0xb4: {  	[dreg:$0x0] =	wrdreg $0x60  }
0xb5: {  	[dreg:$0x2] =	wrdreg s16  }
0xb6: {  	[dreg:$0x3] =	wrdreg s4  }
0xb7: {  	[dreg:$0x4] =	wrdreg s17  }
0xb8: {  	[dreg:$0x5] =	wrdreg s18  }
0xb9: {  	[dreg:$0x6] =	wrdreg s19  }
0xba: {  	[dreg:$0x7] =	wrdreg $0x9  }
0xbb: {  	_ =	task.clear_ibuf [dreg:s11], $0x8FFFF;
	_ =	strace $0x90000046  }
0xbc: {  	s29 =	simm.s32 $0x9;
	_ =	strace $0x80000048  }
0xbd: {  	_ =	swait.ge [sflag:s29], $0x1  }
0xbe: {  	[sflag:s29] =	ssyncadd.s32 $0xFFFFFFFF  }
0xbf: {  	_ =	strace $0x90000048  }
0xc0: {  	_ =	sfence  }
0xc1: {  	s30 =	sld [smem:$0x0];
	_ =	sdelay $0x2  }
0xc2: {  	s31 =	sshll.u32 s1, $0xD;
	s1 =	sshrl.u32 s1, $0x2  }
0xc3: {  	s3 =	sand.u32 $0x4000, s31;
	s1 =	sadd.s32 s1, s30  }
0xc4: {  	s0 =	sor.u32 s3, s0;
	s1 =	sshll.u32 s1, $0x11  }
0xc5: {  	s0 =	sor.u32 s1, s0  }
0xc6: {  	s0 =	sadd.s32 $0x8F2B, s0  }
0xc7: {  	[sflag:s0] =	ssyncadd.remote.s32 $0x1  }
0xc8: {  	_ =	sfence.sel $0xFFFF  }
0xc9: {  	[dreg:$0x0] =	wrdreg $0xFFFFFFFF;
	(pc) =	sbr.abs _section_cstart, $3  }
0xca: {  	[dreg:$0x1] =	wrdreg $0xFFFFFFFF  }
0xcb: {  	_ =	task.clear_ibuf [dreg:s11], $0x2FFFF;
	_ =	strace $0x9FFFFFFF  }
0xcc: {  	(tm) =	ssettm $0x7FFFFFFF  }
0xcd: {  	_ =	shalt  }
tec
execute0_lowered:
.L_overlay_start_1:
0x0: {  	(tag) =	ssettag $0x1  }
0x1: {  	s1 =	rddreg [dreg:$0x0]  }
0x2: {  	s2 =	rddreg [dreg:$0x1]  }
0x3: {  	s4 =	rddreg [dreg:$0x2]  }
0x4: {  	s3 =	srdreg.scid;
	s8 =	rddreg [dreg:$0x3]  }
0x5: {  	s0 =	stileid.u32;
	s10 =	rddreg [dreg:$0x4]  }
0x6: {  	s5 =	simm.s32 $0x0;
	s6 =	sand.u32 $0x1, s3;
	s31 =	sshll.u32 s0, $0x1  }
0x7: {  	v1 =	vimm.f32 $0.0e+00;
	s12 =	simm.s32 $0x2100;
	s13 =	simm.s32 $0x1000;
	s7 =	sor.u32 s6, s31  }
0x8: {  	vm11 =	vmmov $0x1;
	v2 =	vimm.f32 $1.000000000e+00;
	vm3 =	vcmask $0x704;
	s14 =	simm.s32 $0x2080;
	s6 =	ssub.s32 $0x2, s6;
	s9 =	smul.u32 $0x140, s7  }
.Ltmp0:
0x9: {  	vm4 =	vcmask $0xB08;
	vm5 =	vcmask $0xF0C;
	vm6 =	vcmask $0x1310;
	s3 =	rddreg [dreg:$0x5];
	s11 =	sshrl.u32 s6, $0x1;
	(pc) =	sbr.rel .LBB2_1-.Ltmp0, $4  }
0xa: {  	vm7 =	vcmask $0x1714;
	vm8 =	vcmask $0x1B18;
	vm2 =	vcmask $0x1F1C;
	s15 =	simm.s32 $0x0;
	[smem:$0x7FF] =	sst s5;
	s11 =	ssub.s32 s6, s11  }
0xb: {  	vm14 =	vcmask $0x2320;
	v4 =	vimm.s32 $0x0;
	s6 =	smul.u32 $0x27900, s7;
	s7 =	sshll.u32 s7, $0x1;
	v0 =	vmov s9;
	s9 =	sshrl.u32 s9, $0x3  }
0xc: {  	vm15 =	vcmask $0x2724;
	vm13 =	vcmask $0x2F2C;
	v4 =	vsel vm11, $0xFFFFFFFF, v4;
	_ =	strace $0x80000047;
	s7 =	sadd.s32 s8, s7;
	s8 =	sadd.s32 s10, s9  }
0xd: {  	vm0 =	vcmask $0x3330;
	vm12 =	vcmask $0x3B38;
	v3 =	vimm.s32 $0x500000;
	[tilespmem:$0x1FFF0] =	vst v4;
	s9 =	smax.u32 s11, $0x1;
	s10 =	simm.s32 $0x1;
	s11 =	simm.s32 $0x800  }
.LBB2_19:
0xe: {  	_ =	sdelay $0x2  }
0xf: {  	s18 =	sadd.s32 s6, s16  }
0x10: {  	s18 =	sshrl.u32 s18, $0x3  }
0x11: {  	[tilespmem:v4+s12+$0x0] =	vst.idx.add.f32.msk vm1, v2;
	s18 =	sadd.s32 s4, s18  }
0x12: {  	[hbm4b:s18+s5] =	stream.linear.scatter [tilespmem:s13], [sflag:$0x1], $0x800, $0x38;
	[tilespmem:$0x2280] =	vst v63  }
0x13: {  	_ =	swait.ge [sflag:s10], $0x800  }
0x14: {  	v4 =	vld [tilespmem:$0x1FFF0];
	_ =	sdelay $0x2  }
0x15: {  	vm3 =	vcmask $0x704;
	vm4 =	vcmask $0xB08;
	vm5 =	vcmask $0xF0C  }
0x16: {  	vm6 =	vcmask $0x1310;
	vm7 =	vcmask $0x1714;
	vm8 =	vmmov vm11;
	[sflag:s10] =	ssyncset.done $0x0  }
0x17: {  	vm14 =	vmmov vm9;
	vm15 =	vmmov vm10;
	[sflag:s10] =	ssyncadd.s32 $0xFFFFF800;
	vm11 =	vnez.u8 v4  }
.LBB2_20:
0x18: {  	s16 =	sadd.s32 s16, s17  }
0x19: {  	v4 =	vmov s16  }
0x1a: {  	[tilespmem:$0x2080] =	vst v4  }
0x1b: {  	[hbm4b:s7+s5] =	stream.linear.scatter [tilespmem:s14], [sflag:$0x1], $0x10, $0x38;
	[tilespmem:$0x2280] =	vst v63  }
0x1c: {  	s15 =	sadd.s32 $0x1, s15;
	_ =	swait.ge [sflag:s10], $0x10  }
0x1d: {  	p0 =	sne.s32 s15, s9;
	[sflag:s10] =	ssyncset.done $0x0  }
.Ltmp1:
0x1e: {  	[sflag:s10] =	ssyncadd.s32 $0xFFFFFFF0;
	(pc) =	sbr.rel @!p0 .LBB2_21-.Ltmp1, $4  }
0x1f: {  	[hbm4b:s8+s5] =	stream.linear.scatter [tilespmem:s12], [sflag:$0x1], $0x140, $0x38;
	[tilespmem:$0x2280] =	vst v63  }
0x20: {  	_ =	swait.ge [sflag:s10], $0x140  }
0x21: {  	[sflag:s10] =	ssyncset.done $0x0  }
0x22: {  	vm13 =	vcmask $0x2F2C;
	vm0 =	vcmask $0x3330;
	vm2 =	vcmask $0x1F1C;
	[sflag:s10] =	ssyncadd.s32 $0xFFFFFEC0  }
.LBB2_1:
0x23: {  	[tilespmem:$0x2100] =	vst v1  }
0x24: {  	[tilespmem:$0x2110] =	vst v1  }
0x25: {  	[tilespmem:$0x2120] =	vst v1  }
0x26: {  	[tilespmem:$0x2130] =	vst v1  }
0x27: {  	[tilespmem:$0x2140] =	vst v1  }
0x28: {  	[tilespmem:$0x2150] =	vst v1  }
0x29: {  	[tilespmem:$0x2160] =	vst v1  }
0x2a: {  	[tilespmem:$0x2170] =	vst v1  }
0x2b: {  	[tilespmem:$0x2180] =	vst v1  }
0x2c: {  	[tilespmem:$0x2190] =	vst v1  }
0x2d: {  	[tilespmem:$0x21A0] =	vst v1  }
0x2e: {  	[tilespmem:$0x21B0] =	vst v1  }
0x2f: {  	[tilespmem:$0x21C0] =	vst v1  }
0x30: {  	[tilespmem:$0x21D0] =	vst v1  }
0x31: {  	[tilespmem:$0x21E0] =	vst v1  }
0x32: {  	[tilespmem:$0x21F0] =	vst v1  }
.Ltmp2:
0x33: {  	[tilespmem:$0x2200] =	vst v1;
	(pc) =	sbr.rel .LBB2_2-.Ltmp2, $4  }
0x34: {  	[tilespmem:$0x2210] =	vst v1  }
0x35: {  	[tilespmem:$0x2220] =	vst v1  }
0x36: {  	[tilespmem:$0x2230] =	vst v1  }
0x37: {  	[tilespmem:$0x2240] =	vst v1;
	s16 =	simm.s32 $0x0;
	s18 =	simm.s32 $0x0;
	s17 =	simm.s32 $0x0  }
.LBB2_8:
0x38: {  	v4 =	vld [tilespmem:$0x1FFF0];
	_ =	sdelay $0x1  }
0x39: {  	vm3 =	vmmov vm8;
	vm4 =	vmmov vm9  }
0x3a: {  	vm5 =	vmmov vm10;
	vm6 =	vmmov vm11;
	vm7 =	vmmov vm12  }
0x3b: {  	vm8 =	vcmask $0x1B18;
	vm14 =	vcmask $0x2320;
	vm15 =	vcmask $0x2724  }
0x3c: {  	vm12 =	vmmov vm13;
	vm13 =	vmmov vm1;
	vm11 =	vnez.u8 v4  }
.LBB2_12:
0x3d: {  	s17 =	sadd.s32 $0x1, s17  }
0x3e: {  	p0 =	sne.s32 s17, $0x50  }
.Ltmp3:
0x3f: {  	_ = 	snop;
	(pc) =	sbr.rel @!p0 .LBB2_13-.Ltmp3, $2  }
0x40: {  	_ =	sdelay $0x2  }
0x41: {  	s18 =	ssub.s32 s18, s19;
	s16 =	sadd.s32 s16, s19  }
.LBB2_2:
0x42: {  	s19 =	smul.u32 $0xFA, s17;
	_ =	sdelay $0x1  }
0x43: {  	s21 =	simm.s32 $0x0;
	s20 =	sadd.s32 s1, s19  }
0x44: {  	[tilespmem:s21], [sflag:$0x1] =	stream.linear.gather [hbm4b:s20+s21], $0x7D0, $0x38;
	[tilespmem:$0x2280] =	vst v63  }
0x45: {  	_ =	swait.ge [sflag:s10], $0x7D0  }
0x46: {  	[sflag:s10] =	ssyncset.done $0x0  }
0x47: {  	s19 =	sadd.s32 s2, s19;
	[sflag:s10] =	ssyncadd.s32 $0xFFFFF830  }
0x48: {  	[tilespmem:s11], [sflag:$0x1] =	stream.linear.gather [hbm4b:s19+s21], $0x7D0, $0x38;
	[tilespmem:$0x2280] =	vst v63  }
0x49: {  	_ =	swait.ge [sflag:s10], $0x7D0  }
0x4a: {  	[sflag:s10] =	ssyncset.done $0x0  }
0x4b: {  	s31 =	simm.s32 $0x0;
	[sflag:s10] =	ssyncadd.s32 $0xFFFFF830  }
0x4c: {  	v4 =	vld [tilespmem:s31+$0x800];
	_ =	sdelay $0x4  }
0x4d: {  	v4 =	vsub.s32 v4, v0  }
0x4e: {  	vm1 =	vlt.u32 v4, $0x140  }
0x4f: {  	v5 =	vmpcnt.ones.xlane vm1;
	_ =	sdelay $0x1  }
0x50: {  	v5 =	vxor.u32 $0x80000000, v5  }
0x51: {  	(xrf0) =	vmax.scan.msk.u32 $0xffff, v5  }
0x52: {  	v5 =	vld [tilespmem:s31+$0x0];
	_ =	sdelay $0x3  }
0x53: {  	v4 =	vshll.u32 v4, $0xE  }
0x54: {  	v4 =	vor.u32 v5, v4;
	v5, _, _ =	vpop (xrf0)  }
0x55: {  	s20 =	simm.s32 $0x10;
	s19 =	simm.s32 $0x80;
	[tilespmem:s18+$0x1000] =	vst.msk vm1, v4;
	(v2sf) =	vpush v5, $0xF  }
.LBB2_3:
0x56: {  	p0 =	sne.s32 s19, $0x1F00;
	v4 =	vld [tilespmem:s20+$0x800];
	_ =	sdelay $0x4  }
0x57: {  	v4 =	vsub.s32 v4, v0  }
0x58: {  	vm1 =	vlt.u32 v4, $0x140;
	v4 =	vshll.u32 v4, $0xE  }
0x59: {  	v5 =	vmpcnt.ones.xlane vm1;
	_ =	sdelay $0x1  }
0x5a: {  	v5 =	vxor.u32 $0x80000000, v5  }
0x5b: {  	(xrf0) =	vmax.scan.msk.u32 $0xffff, v5  }
0x5c: {  	v5 =	vld [tilespmem:s20+$0x0];
	_ =	sdelay $0x1  }
.Ltmp4:
0x5d: {  	(pc) =	sbr.rel @p0 .LBB2_3-.Ltmp4, $4  }
0x5e: {  	s20 =	spop (v2sf)  }
0x5f: {  	s18 =	sadd.s32 s20, s18  }
0x60: {  	v4 =	vor.u32 v5, v4;
	v5, _, _ =	vpop (xrf0);
	s18 =	sadd.s32 $0x80000000, s18  }
0x61: {  	s20 =	sshra.s32 s19, $0x2;
	s19 =	sadd.s32 $0x40, s19;
	[tilespmem:s18+$0x1000] =	vst.msk vm1, v4;
	(v2sf) =	vpush v5, $0xF  }
0x62: {  	v4 =	vld [tilespmem:s20+$0x800];
	_ =	sdelay $0x4  }
0x63: {  	v4 =	vsub.s32 v4, v0  }
0x64: {  	vm1 =	vlt.u32 v4, $0x140  }
0x65: {  	v5 =	vmpcnt.ones.xlane vm1;
	_ =	sdelay $0x1  }
0x66: {  	v5 =	vxor.u32 $0x80000000, v5  }
0x67: {  	(xrf0) =	vmax.scan.msk.u32 $0xffff, v5;
	_ =	sdelay $0x5  }
0x68: {  	v5, _, _ =	vpop (xrf0)  }
0x69: {  	(v2sf) =	vpush v5, $0xF;
	_ =	sdelay $0xc  }
0x6a: {  	s19 =	spop (v2sf)  }
0x6b: {  	s18 =	sadd.s32 s19, s18  }
0x6c: {  	s19 =	sadd.s32 $0x80000000, s18;
	s31 =	spop (v2sf)  }
0x6d: {  	s18 =	sadd.s32 s31, s19  }
0x6e: {  	v5 =	vld [tilespmem:s20+$0x0];
	s18 =	sadd.s32 $0x80000000, s18  }
0x6f: {  	p0 =	slt.s32 s18, $0x800  }
.Ltmp5:
0x70: {  	_ = 	snop;
	(pc) =	sbr.rel @p0 .LBB2_12-.Ltmp5, $4  }
0x71: {  	_ = 	snop  }
0x72: {  	v4 =	vshll.u32 v4, $0xE  }
0x73: {  	v4 =	vor.u32 v5, v4  }
0x74: {  	[tilespmem:s19+$0x1000] =	vst.msk vm1, v4;
	s19 =	simm.s32 $0x0  }
0x75: {  	s19 =	simm.s32 $0x0  }
0x76: {  	v4 =	vld [tilespmem:s19+$0x1000];
	_ =	sdelay $0x4  }
0x77: {  	v4 =	vshra.s32 v4, $0xE  }
0x78: {  	vm1 =	vlt.s32 v4, $0x140  }
0x79: {  	v5 =	vimm.s32 $0x0;
	vm9 =	vmand vm1, vm3  }
0x7a: {  	vm10 =	vmand vm1, vm11;
	v5 =	vsel vm9, $0xFFFFFFFF, v5  }
0x7b: {  	vm9 =	vmand vm1, vm4;
	[tilespmem:$0x1FF80] =	vst v5;
	v5 =	vimm.s32 $0x0  }
0x7c: {  	v5 =	vsel vm9, $0xFFFFFFFF, v5  }
0x7d: {  	vm9 =	vmand vm1, vm5;
	[tilespmem:$0x1FF90] =	vst v5;
	v5 =	vimm.s32 $0x0  }
0x7e: {  	v5 =	vsel vm9, $0xFFFFFFFF, v5  }
0x7f: {  	vm9 =	vmand vm1, vm6;
	[tilespmem:$0x1FFA0] =	vst v5;
	v5 =	vimm.s32 $0x0  }
0x80: {  	[tilespmem:v4+s12+$0x0] =	vst.idx.add.f32.msk vm10, v2;
	v5 =	vsel vm9, $0xFFFFFFFF, v5  }
0x81: {  	vm10 =	vmand vm1, vm8;
	[tilespmem:$0x1FFB0] =	vst v5;
	v5 =	vimm.s32 $0x0  }
0x82: {  	v5 =	vsel vm10, $0xFFFFFFFF, v5  }
0x83: {  	[tilespmem:$0x1FFC0] =	vst v5;
	v5 =	vld [tilespmem:$0x1FF80];
	_ =	sdelay $0x4  }
0x84: {  	vm10 =	vnez.u8 v5;
	_ =	sdelay $0x5  }
0x85: {  	v5 =	vimm.s32 $0x0;
	[tilespmem:v4+s12+$0x0] =	vst.idx.add.f32.msk vm10, v2;
	vm10 =	vmand vm1, vm2  }
0x86: {  	v5 =	vsel vm10, $0xFFFFFFFF, v5  }
0x87: {  	[tilespmem:$0x1FFD0] =	vst v5;
	v5 =	vld [tilespmem:$0x1FF90];
	_ =	sdelay $0x4  }
0x88: {  	vm10 =	vnez.u8 v5  }
0x89: {  	v5 =	vld [tilespmem:$0x1FFA0];
	_ =	sdelay $0x4  }
0x8a: {  	[tilespmem:v4+s12+$0x0] =	vst.idx.add.f32.msk vm10, v2;
	vm10 =	vnez.u8 v5  }
0x8b: {  	v5 =	vld [tilespmem:$0x1FFB0];
	_ =	sdelay $0x4  }
0x8c: {  	[tilespmem:v4+s12+$0x0] =	vst.idx.add.f32.msk vm10, v2;
	vm10 =	vnez.u8 v5;
	_ =	sdelay $0x5  }
0x8d: {  	[tilespmem:v4+s12+$0x0] =	vst.idx.add.f32.msk vm10, v2;
	vm10 =	vmmov vm2;
	vm2 =	vcmask $0x2B28  }
0x8e: {  	v5 =	vimm.s32 $0x0;
	vm2 =	vmand vm1, vm2  }
0x8f: {  	v5 =	vsel vm2, $0xFFFFFFFF, v5  }
0x90: {  	[tilespmem:$0x1FFE0] =	vst v5;
	v5 =	vld [tilespmem:$0x1FFC0];
	_ =	sdelay $0x3  }
0x91: {  	vm9 =	vmand vm1, vm7  }
0x92: {  	vm2 =	vnez.u8 v5;
	v5 =	vld [tilespmem:$0x1FFD0];
	_ =	sdelay $0x4  }
0x93: {  	[tilespmem:v4+s12+$0x0] =	vst.idx.add.f32.msk vm9, v2;
	vm9 =	vmand vm1, vm13;
	vm13 =	vmand vm1, vm0;
	vm0 =	vnez.u8 v5  }
0x94: {  	v5 =	vld [tilespmem:$0x1FFE0];
	_ =	sdelay $0x2  }
0x95: {  	vm14 =	vmand vm1, vm14  }
0x96: {  	vm15 =	vmand vm1, vm15;
	[tilespmem:v4+s12+$0x0] =	vst.idx.add.f32.msk vm2, v2  }
0x97: {  	[tilespmem:v4+s12+$0x0] =	vst.idx.add.f32.msk vm0, v2;
	vm0 =	vnez.u8 v5;
	_ =	sdelay $0x1  }
0x98: {  	vm2 =	vcmask $0x3734  }
0x99: {  	vm2 =	vmand vm1, vm2  }
0x9a: {  	[tilespmem:v4+s12+$0x0] =	vst.idx.add.f32.msk vm14, v2  }
0x9b: {  	[tilespmem:v4+s12+$0x0] =	vst.idx.add.f32.msk vm15, v2  }
0x9c: {  	[tilespmem:v4+s12+$0x0] =	vst.idx.add.f32.msk vm0, v2  }
0x9d: {  	[tilespmem:v4+s12+$0x0] =	vst.idx.add.f32.msk vm9, v2  }
0x9e: {  	vm12 =	vmand vm1, vm12;
	[tilespmem:v4+s12+$0x0] =	vst.idx.add.f32.msk vm13, v2  }
0x9f: {  	[tilespmem:v4+s12+$0x0] =	vst.idx.add.f32.msk vm2, v2;
	vm2 =	vcmask $0x3F3C  }
0xa0: {  	vm1 =	vmand vm1, vm2;
	_ =	sdelay $0x3  }
0xa1: {  	s20 =	simm.s32 $0x80;
	s19 =	simm.s32 $0x40;
	vm15 =	vmmov vm10;
	vm0 =	vmmov vm11;
	vm13 =	vmmov vm8;
	[tilespmem:v4+s12+$0x0] =	vst.idx.add.f32.msk vm12, v2  }
.LBB2_6:
0xa2: {  	p0 =	sne.s32 s20, $0x1FC0  }
0xa3: {  	s21 =	sshra.s32 s19, $0x2;
	[tilespmem:v4+s12+$0x0] =	vst.idx.add.f32.msk vm1, v2;
	s19 =	smov.u32 s20;
	s20 =	sadd.s32 $0x40, s20  }
0xa4: {  	v4 =	vld [tilespmem:s21+$0x1000];
	_ =	sdelay $0x4  }
0xa5: {  	v4 =	vshra.s32 v4, $0xE  }
0xa6: {  	vm1 =	vlt.s32 v4, $0x140  }
0xa7: {  	vm2 =	vmand vm1, vm0  }
0xa8: {  	vm8 =	vmmov vm3;
	vm3 =	vmand vm1, vm3  }
0xa9: {  	vm9 =	vmmov vm4;
	vm4 =	vmand vm1, vm4  }
0xaa: {  	vm10 =	vmmov vm5;
	vm5 =	vmand vm1, vm5  }
0xab: {  	vm11 =	vmmov vm6;
	vm6 =	vmand vm1, vm6  }
0xac: {  	vm12 =	vmmov vm7;
	vm7 =	vmand vm1, vm7  }
0xad: {  	[tilespmem:v4+s12+$0x0] =	vst.idx.add.f32.msk vm2, v2;
	vm2 =	vmand vm1, vm13  }
0xae: {  	[tilespmem:v4+s12+$0x0] =	vst.idx.add.f32.msk vm3, v2;
	vm3 =	vmand vm1, vm15  }
0xaf: {  	[tilespmem:v4+s12+$0x0] =	vst.idx.add.f32.msk vm4, v2;
	vm4 =	vcmask $0x2320  }
0xb0: {  	vm4 =	vmand vm1, vm4  }
0xb1: {  	[tilespmem:v4+s12+$0x0] =	vst.idx.add.f32.msk vm5, v2;
	vm5 =	vcmask $0x2724  }
0xb2: {  	vm5 =	vmand vm1, vm5  }
0xb3: {  	[tilespmem:v4+s12+$0x0] =	vst.idx.add.f32.msk vm6, v2;
	vm6 =	vcmask $0x2B28  }
0xb4: {  	vm6 =	vmand vm1, vm6  }
0xb5: {  	[tilespmem:v4+s12+$0x0] =	vst.idx.add.f32.msk vm7, v2;
	vm7 =	vcmask $0x2F2C  }
0xb6: {  	vm7 =	vmand vm1, vm7  }
0xb7: {  	[tilespmem:v4+s12+$0x0] =	vst.idx.add.f32.msk vm2, v2;
	vm2 =	vcmask $0x3330  }
0xb8: {  	vm2 =	vmand vm1, vm2  }
0xb9: {  	[tilespmem:v4+s12+$0x0] =	vst.idx.add.f32.msk vm3, v2;
	vm3 =	vcmask $0x3734  }
0xba: {  	vm3 =	vmand vm1, vm3  }
0xbb: {  	[tilespmem:v4+s12+$0x0] =	vst.idx.add.f32.msk vm4, v2;
	vm4 =	vcmask $0x3B38  }
0xbc: {  	vm14 =	vcmask $0x3F3C;
	vm4 =	vmand vm1, vm4  }
0xbd: {  	vm1 =	vmand vm1, vm14;
	[tilespmem:v4+s12+$0x0] =	vst.idx.add.f32.msk vm5, v2;
	vm5 =	vmmov vm10  }
.Ltmp6:
0xbe: {  	[tilespmem:v4+s12+$0x0] =	vst.idx.add.f32.msk vm6, v2;
	vm6 =	vmmov vm11;
	(pc) =	sbr.rel @p0 .LBB2_6-.Ltmp6, $4  }
0xbf: {  	[tilespmem:v4+s12+$0x0] =	vst.idx.add.f32.msk vm7, v2;
	vm7 =	vmmov vm12  }
0xc0: {  	[tilespmem:v4+s12+$0x0] =	vst.idx.add.f32.msk vm2, v2  }
0xc1: {  	[tilespmem:v4+s12+$0x0] =	vst.idx.add.f32.msk vm3, v2;
	vm3 =	vmmov vm8  }
0xc2: {  	[tilespmem:v4+s12+$0x0] =	vst.idx.add.f32.msk vm4, v2;
	vm4 =	vmmov vm9  }
0xc3: {  	_ =	sdelay $0x4  }
0xc4: {  	s19 =	sshra.s32 s19, $0x2;
	[tilespmem:v4+s12+$0x0] =	vst.idx.add.f32.msk vm1, v2  }
0xc5: {  	v4 =	vld [tilespmem:s19+$0x1000];
	_ =	sdelay $0x4  }
0xc6: {  	v4 =	vshra.s32 v4, $0xE  }
0xc7: {  	vm1 =	vlt.s32 v4, $0x140  }
0xc8: {  	vm2 =	vmand vm1, vm0  }
0xc9: {  	vm3 =	vmand vm1, vm3  }
0xca: {  	vm4 =	vmand vm1, vm4  }
0xcb: {  	vm5 =	vmand vm1, vm5  }
0xcc: {  	vm6 =	vmand vm1, vm6  }
0xcd: {  	vm7 =	vmand vm1, vm7  }
0xce: {  	[tilespmem:v4+s12+$0x0] =	vst.idx.add.f32.msk vm2, v2;
	vm2 =	vmand vm1, vm13  }
0xcf: {  	vm0 =	vcmask $0x2320;
	[tilespmem:v4+s12+$0x0] =	vst.idx.add.f32.msk vm3, v2;
	vm3 =	vmand vm1, vm15  }
0xd0: {  	[tilespmem:v4+s12+$0x0] =	vst.idx.add.f32.msk vm4, v2;
	vm4 =	vmand vm1, vm0;
	vm0 =	vcmask $0x2724  }
0xd1: {  	[tilespmem:v4+s12+$0x0] =	vst.idx.add.f32.msk vm5, v2;
	vm5 =	vmand vm1, vm0  }
0xd2: {  	vm0 =	vcmask $0x2B28;
	[tilespmem:v4+s12+$0x0] =	vst.idx.add.f32.msk vm6, v2  }
0xd3: {  	vm14 =	vcmask $0x2F2C;
	vm6 =	vmand vm1, vm0;
	[tilespmem:v4+s12+$0x0] =	vst.idx.add.f32.msk vm7, v2  }
0xd4: {  	vm0 =	vcmask $0x3330;
	vm7 =	vmand vm1, vm14;
	[tilespmem:v4+s12+$0x0] =	vst.idx.add.f32.msk vm2, v2  }
0xd5: {  	vm2 =	vmand vm1, vm0;
	[tilespmem:v4+s12+$0x0] =	vst.idx.add.f32.msk vm3, v2;
	vm3 =	vcmask $0x3734  }
0xd6: {  	vm3 =	vmand vm1, vm3;
	[tilespmem:v4+s12+$0x0] =	vst.idx.add.f32.msk vm4, v2;
	vm4 =	vcmask $0x3B38  }
0xd7: {  	vm13 =	vmmov vm4;
	vm4 =	vmand vm1, vm4;
	[tilespmem:v4+s12+$0x0] =	vst.idx.add.f32.msk vm5, v2;
	vm5 =	vcmask $0x3F3C  }
0xd8: {  	vm1 =	vmand vm1, vm5  }
0xd9: {  	[tilespmem:v4+s12+$0x0] =	vst.idx.add.f32.msk vm6, v2  }
0xda: {  	[tilespmem:v4+s12+$0x0] =	vst.idx.add.f32.msk vm7, v2  }
0xdb: {  	s31 =	sadd.s32 $0xFFFFF80F, s18;
	[tilespmem:v4+s12+$0x0] =	vst.idx.add.f32.msk vm2, v2  }
0xdc: {  	s30 =	sadd.s32 s6, s16;
	s21 =	sshrl.u32 s31, $0x4;
	[tilespmem:v4+s12+$0x0] =	vst.idx.add.f32.msk vm3, v2  }
0xdd: {  	s22 =	simm.s32 $0x0;
	s19 =	sshrl.u32 s30, $0x3;
	p0 =	seq.s32 s21, $0x0;
	[tilespmem:v4+s12+$0x0] =	vst.idx.add.f32.msk vm4, v2  }
.Ltmp7:
0xde: {  	s20 =	simm.s32 $0x1000;
	s19 =	sadd.s32 s4, s19;
	[tilespmem:v4+s12+$0x0] =	vst.idx.add.f32.msk vm1, v2;
	(pc) =	sbr.rel @p0 .LBB2_8-.Ltmp7, $4  }
0xdf: {  	[hbm4b:s19+s22] =	stream.linear.scatter [tilespmem:s20], [sflag:$0x1], $0x800, $0x38;
	[tilespmem:$0x2280] =	vst v63  }
0xe0: {  	_ =	swait.ge [sflag:s10], $0x800  }
0xe1: {  	[sflag:s10] =	ssyncset.done $0x0  }
0xe2: {  	vm2 =	vmmov vm15;
	vm1 =	vmmov vm14;
	s19 =	simm.s32 $0x800;
	[sflag:s10] =	ssyncadd.s32 $0xFFFFF800  }
0xe3: {  	s23 =	sand.u32 $0xFFFFFFF0, s22;
	p0 =	sne.s32 s21, $0x1  }
.Ltmp8:
0xe4: {  	v4 =	vld [tilespmem:s23+$0x1800];
	(pc) =	sbr.rel @!p0 .LBB2_11-.Ltmp8, $2  }
0xe5: {  	_ =	sdelay $0x2  }
0xe6: {  	s21 =	sadd.s32 $0xFFFFFFFF, s21;
	s22 =	sadd.s32 $0x10, s22  }
.LBB2_10:
0xe7: {  	s23 =	sand.u32 $0xFFFFFFF0, s22;
	p0 =	sne.s32 s21, $0x1;
	s21 =	sadd.s32 $0xFFFFFFFF, s21;
	[tilespmem:s20+$0x0] =	vst v4  }
.Ltmp9:
0xe8: {  	v4 =	vld [tilespmem:s23+$0x1800];
	(pc) =	sbr.rel @p0 .LBB2_10-.Ltmp9, $2  }
0xe9: {  	_ =	sdelay $0x2  }
0xea: {  	s22 =	sadd.s32 $0x10, s22;
	s20 =	sadd.s32 $0x10, s20  }
.LBB2_11:
0xeb: {  	[tilespmem:s20+$0x0] =	vst v4;
	v4 =	vld [tilespmem:$0x1FFF0]  }
.Ltmp10:
0xec: {  	_ = 	snop;
	(pc) =	sbr.rel .LBB2_12-.Ltmp10, $4  }
0xed: {  	vm3 =	vmmov vm8;
	vm4 =	vmmov vm9  }
0xee: {  	vm5 =	vmmov vm10;
	vm6 =	vmmov vm11;
	vm7 =	vmmov vm12  }
0xef: {  	vm8 =	vcmask $0x1B18;
	vm14 =	vcmask $0x2320;
	vm15 =	vcmask $0x2724  }
0xf0: {  	vm12 =	vmmov vm13;
	vm13 =	vmmov vm1;
	vm11 =	vnez.u8 v4  }
.LBB2_13:
0xf1: {  	s17 =	sadd.s32 $0x7F, s18  }
0xf2: {  	s19 =	sand.u32 $0x7F, s17  }
0xf3: {  	s20 =	sshra.s32 s17, $0x1F;
	p0 =	slt.s32 s17, $0x1;
	p1 =	sne.s32 s19, $0x0  }
0xf4: {  	s28 =	sshrl.u32 s20, $0x19;
	p0 =	por !p0, !p1  }
0xf5: {  	s19 =	simm.s32 $0x1;
	s17 =	sadd.s32 s28, s17;
	p0 =	por !p0, !p0  }
0xf6: {  	s17 =	sshrl.u32 s17, $0x7;
	s19 =	simm.s32 @!p0 $0x0  }
0xf7: {  	s17 =	ssub.s32 s17, s19  }
0xf8: {  	s17 =	sshll.u32 s17, $0x7  }
0xf9: {  	s29 =	ssub.s32 s17, s18  }
0xfa: {  	s19 =	sadd.s32 $0xF, s29  }
0xfb: {  	s30 =	sand.u32 $0xF, s19  }
0xfc: {  	s31 =	sshra.s32 s19, $0x1F;
	p6 =	slt.s32 s19, $0x1;
	p5 =	sne.s32 s30, $0x0  }
0xfd: {  	s20 =	sshrl.u32 s31, $0x1C;
	p0 =	por !p6, !p5  }
0xfe: {  	s19 =	sadd.s32 s20, s19;
	s20 =	simm.s32 $0x1;
	p0 =	por !p0, !p0  }
0xff: {  	s19 =	sshra.s32 s19, $0x4;
	s20 =	simm.s32 @!p0 $0x0  }
0x100: {  	s19 =	ssub.s32 s19, s20  }
0x101: {  	p0 =	slt.s32 s19, $0x1  }
.Ltmp11:
0x102: {  	_ = 	snop;
	(pc) =	sbr.rel @p0 .LBB2_16-.Ltmp11, $1  }
0x103: {  	_ =	sdelay $0x3  }
0x104: {  	p0 =	sne.s32 s19, $0x1  }
.Ltmp12:
0x105: {  	_ = 	snop;
	(pc) =	sbr.rel @!p0 .LBB2_16-.Ltmp12, $3  }
0x106: {  	_ =	sdelay $0x1  }
0x107: {  	s18 =	sadd.s32 $0x1000, s18  }
0x108: {  	s19 =	sadd.s32 $0xFFFFFFFF, s19;
	[tilespmem:s18+$0x0] =	vst v3  }
.LBB2_15:
0x109: {  	p0 =	sne.s32 s19, $0x1  }
.Ltmp13:
0x10a: {  	_ = 	snop;
	(pc) =	sbr.rel @p0 .LBB2_15-.Ltmp13, $3  }
0x10b: {  	_ =	sdelay $0x1  }
0x10c: {  	s19 =	sadd.s32 $0xFFFFFFFF, s19;
	s18 =	sadd.s32 $0x10, s18  }
0x10d: {  	[tilespmem:s18+$0x0] =	vst v3  }
.LBB2_16:
0x10e: {  	p0 =	slt.s32 s17, $0x1  }
.Ltmp14:
0x10f: {  	_ = 	snop;
	(pc) =	sbr.rel @p0 .LBB2_20-.Ltmp14, $1  }
0x110: {  	_ =	sdelay $0x3  }
0x111: {  	s18 =	simm.s32 $0x1000  }
0x112: {  	v4 =	vld [tilespmem:s18+$0x0];
	_ =	sdelay $0x4  }
0x113: {  	v4 =	vshra.s32 v4, $0xE  }
0x114: {  	vm1 =	vlt.s32 v4, $0x140  }
0x115: {  	vm2 =	vmand vm1, vm11  }
0x116: {  	vm0 =	vmand vm1, vm3  }
0x117: {  	vm4 =	vmand vm1, vm4  }
0x118: {  	vm5 =	vmand vm1, vm5  }
0x119: {  	vm6 =	vmand vm1, vm6  }
0x11a: {  	vm7 =	vmand vm1, vm7  }
0x11b: {  	vm11 =	vmmov vm8;
	[tilespmem:v4+s12+$0x0] =	vst.idx.add.f32.msk vm2, v2;
	vm2 =	vmand vm1, vm8;
	vm8 =	vcmask $0x1F1C  }
0x11c: {  	[tilespmem:v4+s12+$0x0] =	vst.idx.add.f32.msk vm0, v2;
	vm10 =	vmand vm1, vm8  }
0x11d: {  	[tilespmem:v4+s12+$0x0] =	vst.idx.add.f32.msk vm4, v2  }
0x11e: {  	vm4 =	vmand vm1, vm14;
	[tilespmem:v4+s12+$0x0] =	vst.idx.add.f32.msk vm5, v2  }
0x11f: {  	vm13 =	vcmask $0x2B28;
	vm5 =	vmand vm1, vm15;
	[tilespmem:v4+s12+$0x0] =	vst.idx.add.f32.msk vm6, v2  }
0x120: {  	vm0 =	vcmask $0x2F2C;
	vm6 =	vmand vm1, vm13;
	[tilespmem:v4+s12+$0x0] =	vst.idx.add.f32.msk vm7, v2  }
0x121: {  	vm9 =	vmmov vm14;
	vm14 =	vcmask $0x3330;
	vm7 =	vmand vm1, vm0;
	[tilespmem:v4+s12+$0x0] =	vst.idx.add.f32.msk vm2, v2  }
0x122: {  	vm2 =	vmand vm1, vm14;
	[tilespmem:v4+s12+$0x0] =	vst.idx.add.f32.msk vm10, v2;
	vm10 =	vmmov vm15;
	vm15 =	vcmask $0x3734  }
0x123: {  	vm13 =	vmand vm1, vm15  }
0x124: {  	[tilespmem:v4+s12+$0x0] =	vst.idx.add.f32.msk vm4, v2  }
0x125: {  	[tilespmem:v4+s12+$0x0] =	vst.idx.add.f32.msk vm5, v2  }
0x126: {  	[tilespmem:v4+s12+$0x0] =	vst.idx.add.f32.msk vm6, v2  }
0x127: {  	[tilespmem:v4+s12+$0x0] =	vst.idx.add.f32.msk vm7, v2  }
0x128: {  	[tilespmem:v4+s12+$0x0] =	vst.idx.add.f32.msk vm2, v2  }
0x129: {  	s19 =	sshrl.u32 s17, $0x4;
	vm4 =	vmand vm1, vm12;
	[tilespmem:v4+s12+$0x0] =	vst.idx.add.f32.msk vm13, v2;
	vm13 =	vcmask $0x3F3C  }
0x12a: {  	p0 =	sne.s32 s19, $0x1;
	vm1 =	vmand vm1, vm13  }
.Ltmp15:
0x12b: {  	_ = 	snop;
	(pc) =	sbr.rel @!p0 .LBB2_19-.Ltmp15, $2  }
0x12c: {  	_ =	sdelay $0x2  }
0x12d: {  	s19 =	sadd.s32 $0xFFFFFFFF, s19;
	[tilespmem:v4+s12+$0x0] =	vst.idx.add.f32.msk vm4, v2  }
.LBB2_18:
0x12e: {  	[tilespmem:v4+s12+$0x0] =	vst.idx.add.f32.msk vm1, v2;
	s18 =	sadd.s32 $0x10, s18  }
0x12f: {  	v4 =	vld [tilespmem:s18+$0x0]  }
0x130: {  	v5 =	vld [tilespmem:$0x1FFF0];
	_ =	sdelay $0x3  }
0x131: {  	v4 =	vshra.s32 v4, $0xE  }
0x132: {  	vm2 =	vnez.u8 v5;
	vm1 =	vlt.s32 v4, $0x140  }
0x133: {  	vm3 =	vcmask $0x704;
	vm2 =	vmand vm1, vm2  }
0x134: {  	vm4 =	vcmask $0xB08;
	vm3 =	vmand vm1, vm3  }
0x135: {  	vm5 =	vcmask $0xF0C;
	vm4 =	vmand vm1, vm4  }
0x136: {  	vm6 =	vcmask $0x1310;
	vm5 =	vmand vm1, vm5  }
0x137: {  	vm6 =	vmand vm1, vm6  }
0x138: {  	vm7 =	vcmask $0x1714  }
0x139: {  	vm7 =	vmand vm1, vm7;
	[tilespmem:v4+s12+$0x0] =	vst.idx.add.f32.msk vm2, v2  }
0x13a: {  	vm2 =	vmand vm1, vm11;
	[tilespmem:v4+s12+$0x0] =	vst.idx.add.f32.msk vm3, v2  }
0x13b: {  	vm3 =	vmand vm1, vm8;
	[tilespmem:v4+s12+$0x0] =	vst.idx.add.f32.msk vm4, v2  }
0x13c: {  	vm4 =	vmand vm1, vm9;
	[tilespmem:v4+s12+$0x0] =	vst.idx.add.f32.msk vm5, v2  }
0x13d: {  	vm5 =	vmand vm1, vm10;
	[tilespmem:v4+s12+$0x0] =	vst.idx.add.f32.msk vm6, v2;
	vm6 =	vcmask $0x2B28  }
0x13e: {  	vm6 =	vmand vm1, vm6  }
0x13f: {  	[tilespmem:v4+s12+$0x0] =	vst.idx.add.f32.msk vm7, v2;
	vm7 =	vmand vm1, vm0  }
0x140: {  	[tilespmem:v4+s12+$0x0] =	vst.idx.add.f32.msk vm2, v2;
	vm2 =	vmand vm1, vm14  }
0x141: {  	[tilespmem:v4+s12+$0x0] =	vst.idx.add.f32.msk vm3, v2;
	vm3 =	vmand vm1, vm15  }
0x142: {  	[tilespmem:v4+s12+$0x0] =	vst.idx.add.f32.msk vm4, v2;
	vm4 =	vmand vm1, vm12  }
0x143: {  	p0 =	sne.s32 s19, $0x1;
	[tilespmem:v4+s12+$0x0] =	vst.idx.add.f32.msk vm5, v2  }
.Ltmp16:
0x144: {  	[tilespmem:v4+s12+$0x0] =	vst.idx.add.f32.msk vm6, v2;
	(pc) =	sbr.rel @p0 .LBB2_18-.Ltmp16, $4  }
0x145: {  	[tilespmem:v4+s12+$0x0] =	vst.idx.add.f32.msk vm7, v2  }
0x146: {  	[tilespmem:v4+s12+$0x0] =	vst.idx.add.f32.msk vm2, v2  }
0x147: {  	[tilespmem:v4+s12+$0x0] =	vst.idx.add.f32.msk vm3, v2  }
0x148: {  	s19 =	sadd.s32 $0xFFFFFFFF, s19;
	vm1 =	vmand vm1, vm13;
	[tilespmem:v4+s12+$0x0] =	vst.idx.add.f32.msk vm4, v2  }
.Ltmp17:
0x149: {  	_ = 	snop;
	(pc) =	sbr.rel .LBB2_19-.Ltmp17, $1  }
0x14a: {  	_ =	sdelay $0x3  }
.LBB2_21:
0x14b: {  	_ =	sfence.sel $0x180000  }
0x14c: {  	[bflag:$0x0] =	sbarrier.arrive $0xFFFF  }
0x14d: {  	p0 =	sne.s32 s0, $0x0;
	_ =	strace $0x90000047  }
0x14e: {  	s0 =	sadd.s32 @!p0 $0x100000, s3;
	[bflag:$0x2] =	sbarrier.arrive $0xFFFF  }
0x14f: {  	[sflag:s0] =	ssyncadd.tile.s32 @!p0 $0x1;
	_ =	shalt  }
.Lfunc_end2:
_tile_overlayer_lowered:
.L_overlay_start_2:
0x150: {  	(tag) =	ssettag $0x2  }
0x151: {  	s0 =	rddreg [dreg:$0x0];
	s2 =	stileid.u32  }
0x152: {  	s1 =	rddreg [dreg:$0x1];
	p0 =	sne.s32 s2, $0x0  }
0x153: {  	s3 =	rddreg [dreg:$0x2];
	[bflag:$0x3] =	sbarrier.arrive $0xFFFF;
	s2 =	simm.s32 @!p0 $0x1C01  }
0x154: {  	[timem:s3], [sflag:s2] =	dma.local @!p0 [hbm:s0], s1  }
0x155: {  	s0 =	simm.s32 @!p0 $0x1  }
0x156: {  	_ =	swait.ge @!p0 [sflag:s0], s1  }
0x157: {  	s1 =	ssub.s32 @!p0 $0x0, s1;
	[sflag:s0] =	ssyncset.done @!p0 $0x0  }
0x158: {  	[sflag:s0] =	ssyncadd.s32 @!p0 s1  }
0x159: {  	[bflag:$0x3] =	sbarrier.arrive $0xFFFF  }
0x15a: {  	_ =	shalt  }

</sc_bundles>
